<compile_context>
chip_gen: v7x
topology: tpu7x:2x2x1
jax: 0.10.2.dev20260603
libtpu: 0.0.44.dev20260713+nightly
codegen_flags: <defaults>
</compile_context>

<pallas_src>
import functools

import jax
import jax.numpy as jnp
from jax import lax
from jax.experimental import pallas as pl
from jax.experimental.pallas import tpu as pltpu
from jax.experimental.pallas import tpu_sc as plsc

N = 10000
E = 320000
D = 128
G = 64

NC = 2
NS = 16
L = 16
NW = NC * NS
CHUNK = 64
ET = E // NW
NCH = 2 * (-(-ET // (2 * CHUNK)))
NPAIR = NCH // 2
ETP = NCH * CHUNK
EP = NW * ETP
N_PAD = 10240
STRIPE = N_PAD // NS

_mesh = plsc.VectorSubcoreMesh(core_axis_name="c", subcore_axis_name="s")
_sc_params = pltpu.CompilerParams(needs_layout_passes=False)


@functools.partial(
    pl.kernel,
    out_type=jax.ShapeDtypeStruct((NW, N_PAD), jnp.float32),
    mesh=_mesh,
    compiler_params=_sc_params,
    scratch_types=[
        pltpu.VMEM((ETP,), jnp.int32),
        pltpu.VMEM((ETP,), jnp.float32),
        pltpu.VMEM((N_PAD,), jnp.float32),
    ],
)
def _deg_kernel(col_hbm, ew_hbm, deg_out, col_v, ew_v, deg_v):
    wid = lax.axis_index("s") * NC + lax.axis_index("c")
    pltpu.sync_copy(col_hbm.at[wid], col_v)
    pltpu.sync_copy(ew_hbm.at[wid], ew_v)
    zeros = jnp.zeros((L,), jnp.float32)

    def zbody(i, carry):
        deg_v[pl.ds(pl.multiple_of(i * L, L), L)] = zeros
        return carry

    lax.fori_loop(0, N_PAD // L, zbody, 0)

    def ebody(i, carry):
        off = pl.ds(pl.multiple_of(i * L, L), L)
        plsc.addupdate_scatter(deg_v, [col_v[off]], ew_v[off])
        return carry

    lax.fori_loop(0, ETP // L, ebody, 0)
    pltpu.sync_copy(deg_v, deg_out.at[wid])


def _prep_body(x_ref, w_ref, degp_ref, hp_ref, dis_ref):
    deg = jnp.sum(degp_ref[...], axis=0)[:N] + 1.0
    dis = jnp.where(deg > 0, lax.rsqrt(deg), 0.0)
    h = jnp.dot(x_ref[...], w_ref[...], preferred_element_type=jnp.float32)
    hp_ref[...] = h * dis[:, None]
    dis_ref[...] = dis


_prep_call = pl.pallas_call(
    _prep_body,
    out_shape=(
        jax.ShapeDtypeStruct((N, D), jnp.float32),
        jax.ShapeDtypeStruct((N,), jnp.float32),
    ),
)


@functools.partial(
    pl.kernel,
    out_type=jax.ShapeDtypeStruct((NC, N_PAD, D), jnp.float32),
    mesh=_mesh,
    compiler_params=_sc_params,
    scratch_types=[
        pltpu.VMEM((ETP,), jnp.int32),
        pltpu.VMEM((ETP,), jnp.int32),
        pltpu.VMEM((ETP,), jnp.float32),
        pltpu.VMEM((CHUNK, D), jnp.float32),
        pltpu.VMEM((CHUNK, D), jnp.float32),
        pltpu.VMEM_SHARED((N_PAD, D), jnp.float32),
        pltpu.SemaphoreType.DMA,
        pltpu.SemaphoreType.DMA,
        pltpu.SemaphoreType.DMA,
        pltpu.SemaphoreType.DMA,
    ],
)
def _msg_kernel(row_hbm, col_hbm, ew_hbm, hp_hbm, out_hbm,
                row_v, col_v, ew_v, g0, g1, acc,
                gs0, gs1, ss0, ss1):
    cid = lax.axis_index("c")
    sid = lax.axis_index("s")
    wid = sid * NC + cid
    pltpu.sync_copy(row_hbm.at[wid], row_v)
    pltpu.sync_copy(col_hbm.at[wid], col_v)
    pltpu.sync_copy(ew_hbm.at[wid], ew_v)

    def _wait(sem):
        pltpu.make_async_copy(hp_hbm.at[pl.ds(0, CHUNK)], g0, sem).wait()

    zeros = jnp.zeros((L,), jnp.float32)

    def zbody(i, carry):
        r = i // (D // L)
        c = (i % (D // L)) * L
        g0[r, pl.ds(c, L)] = zeros
        return carry

    lax.fori_loop(0, CHUNK * D // L, zbody, 0)
    for k in range(STRIPE // CHUNK):
        pltpu.sync_copy(g0, acc.at[pl.ds(sid * STRIPE + k * CHUNK, CHUNK)])
    plsc.subcore_barrier()

    pltpu.async_copy(hp_hbm.at[row_v.at[pl.ds(0, CHUNK)]], g0, gs0)
    pltpu.async_copy(hp_hbm.at[row_v.at[pl.ds(CHUNK, CHUNK)]], g1, gs1)

    def _scale(ch, buf):
        base = ch * CHUNK

        def rbody(r, carry):
            s = plsc.load_gather(ew_v, [jnp.full((L,), base + r, jnp.int32)])
            for j in range(D // L):
                sl = pl.ds(j * L, L)
                buf[r, sl] = buf[r, sl] * s
            return carry

        lax.fori_loop(0, CHUNK, rbody, 0)

    def pair_body(i, carry):
        for (ch, buf, gsem, ssem) in (
            (2 * i, g0, gs0, ss0),
            (2 * i + 1, g1, gs1, ss1),
        ):
            _wait(gsem)
            _scale(ch, buf)
            cs = pl.ds(pl.multiple_of(ch * CHUNK, CHUNK), CHUNK)
            pltpu.async_copy(buf, acc.at[col_v.at[cs]], ssem, add=True)

            @pl.when(i < NPAIR - 1)
            def _():
                _wait(ssem)
                ns = pl.ds(pl.multiple_of((ch + 2) * CHUNK, CHUNK), CHUNK)
                pltpu.async_copy(hp_hbm.at[row_v.at[ns]], buf, gsem)
        return carry

    lax.fori_loop(0, NPAIR, pair_body, 0)
    _wait(ss0)
    _wait(ss1)
    plsc.subcore_barrier()
    pltpu.sync_copy(
        acc.at[pl.ds(sid * STRIPE, STRIPE)],
        out_hbm.at[cid, pl.ds(sid * STRIPE, STRIPE)],
    )


def _post_body(sp_ref, hp_ref, dis_ref, bconv_ref, batch_ref,
               gnw_ref, gnb_ref, gms_ref, y_ref):
    s = sp_ref[0, :N, :] + sp_ref[1, :N, :]
    dis = dis_ref[...]
    out = dis[:, None] * (s + hp_ref[...]) + bconv_ref[...]

    batch = batch_ref[...]
    gids = lax.iota(jnp.int32, G)
    oh_ng = (batch[:, None] == gids[None, :]).astype(jnp.float32)
    cnt = jnp.maximum(jnp.sum(oh_ng, axis=0), 1.0)
    sums = lax.dot_general(oh_ng, out, (((0,), (0,)), ((), ())),
                           preferred_element_type=jnp.float32)
    sumsq = lax.dot_general(oh_ng, out * out, (((0,), (0,)), ((), ())),
                            preferred_element_type=jnp.float32)
    mean = sums / cnt[:, None]
    m2 = sumsq / cnt[:, None]
    gms = gms_ref[...]
    var = m2 + (gms * gms - 2.0 * gms) * (mean * mean)
    inv_std = lax.rsqrt(var + 1e-5)
    mean_row = jnp.dot(oh_ng, mean, preferred_element_type=jnp.float32)
    isd_row = jnp.dot(oh_ng, inv_std, preferred_element_type=jnp.float32)
    out_c = out - mean_row * gms
    y = gnw_ref[...] * out_c * isd_row + gnb_ref[...]
    y_ref[...] = jnp.where(y > 0, y, 0.1 * y)


_post_call = pl.pallas_call(
    _post_body,
    out_shape=jax.ShapeDtypeStruct((N, D), jnp.float32),
)


def kernel(x, edge_index, edge_weight, batch, W, b_conv, gn_weight, gn_bias,
           gn_mean_scale):
    row = edge_index[0].astype(jnp.int32)
    col = edge_index[1].astype(jnp.int32)
    batch32 = batch.astype(jnp.int32)
    pad = EP - E
    rowp = jnp.concatenate([row, jnp.zeros((pad,), jnp.int32)])
    colp = jnp.concatenate([col, jnp.zeros((pad,), jnp.int32)])
    ewp = jnp.concatenate([edge_weight.astype(jnp.float32),
                           jnp.zeros((pad,), jnp.float32)])
    row2 = rowp.reshape(NW, ETP)
    col2 = colp.reshape(NW, ETP)
    colf = colp.reshape(NW, ETP)
    ewf = ewp.reshape(NW, ETP)

    degp = _deg_kernel(colf, ewf)
    hp, dis = _prep_call(x, W, degp)
    spart = _msg_kernel(row2, col2, ewf, hp)
    y = _post_call(spart, hp, dis, b_conv, batch32, gn_weight, gn_bias,
                   gn_mean_scale)
    return y

# --- scband reference (transcript-rebuilt; emitter-appended) ---
"""Pipeline reference for scband-conv-block-86234353369457 (READ-ONLY COPY).

The authoritative reference and input builder live on the scoring server;
editing this copy changes nothing except your own understanding.
"""

import jax, jax.numpy as jnp
import numpy as np

N = 10000
E = 320000
D = 128
G = 64


def setup_inputs(seed: int = 0) -> dict:
    key = jax.random.key(seed)
    k1, k2, k3, k4, k5 = jax.random.split(key, 5)
    x = jax.random.normal(k1, (N, D), dtype=jnp.float32)
    edge_index = jax.random.randint(k2, (2, E), 0, N, dtype=jnp.int64)
    edge_weight = jax.random.uniform(k3, (E,), dtype=jnp.float32)
    batch = jnp.sort(jax.random.randint(k4, (N,), 0, G, dtype=jnp.int64))
    # GCNConv parameters (in=hidden=128, out=hidden=128)
    W = jax.random.normal(k5, (D, D), dtype=jnp.float32) * 0.05
    b_conv = jnp.zeros((D,), dtype=jnp.float32)
    # GraphNorm parameters
    gn_weight = jnp.ones((D,), dtype=jnp.float32)
    gn_bias = jnp.zeros((D,), dtype=jnp.float32)
    gn_mean_scale = jnp.ones((D,), dtype=jnp.float32)
    return {"x": x, "edge_index": edge_index, "edge_weight": edge_weight, "batch": batch,
            "W": W, "b_conv": b_conv, "gn_weight": gn_weight, "gn_bias": gn_bias,
            "gn_mean_scale": gn_mean_scale}


def reference(x, edge_index, edge_weight, batch, W, b_conv, gn_weight, gn_bias, gn_mean_scale):
    # ---- GCNConv with edge_weight (add self-loops, symmetric norm) ----
    row = edge_index[0]
    col = edge_index[1]
    loop = jnp.arange(N, dtype=edge_index.dtype)
    row2 = jnp.concatenate([row, loop])
    col2 = jnp.concatenate([col, loop])
    ew2 = jnp.concatenate([edge_weight, jnp.ones((N,), dtype=x.dtype)])
    deg = jax.ops.segment_sum(ew2, col2, num_segments=N)
    deg_inv_sqrt = jnp.where(deg > 0, 1.0 / jnp.sqrt(deg), 0.0)
    norm = deg_inv_sqrt[row2] * ew2 * deg_inv_sqrt[col2]
    h = x @ W
    msg = h[row2] * norm[:, None]
    out = jax.ops.segment_sum(msg, col2, num_segments=N) + b_conv
    # ---- GraphNorm (per-graph mean/var via batch segment ids) ----
    cnt = jax.ops.segment_sum(jnp.ones((N,), dtype=x.dtype), batch, num_segments=G)
    cnt = jnp.maximum(cnt, 1.0)
    mean = jax.ops.segment_sum(out, batch, num_segments=G) / cnt[:, None]
    out_c = out - mean[batch] * gn_mean_scale
    var = jax.ops.segment_sum(out_c * out_c, batch, num_segments=G) / cnt[:, None]
    inv_std = 1.0 / jnp.sqrt(var[batch] + 1e-5)
    out_n = gn_weight * out_c * inv_std + gn_bias
    # ---- LeakyReLU(0.1) ----
    y = jnp.where(out_n > 0, out_n, 0.1 * out_n)
    # Dropout is identity in eval mode
    return y

if __name__ == "__main__":
    import jax
    _d = setup_inputs()
    print(jax.jit(kernel)(*tuple(_d.values())))

</pallas_src>

<mosaic_0001>
#map = affine_map<(d0, d1) -> (0, 0)>
#map1 = affine_map<(d0, d1) -> (0, 0, 0)>
module attributes {stable_mosaic.version = 14 : i64} {
  func.func @_msg_kernel(%arg0: i32, %arg1: i32, %arg2: memref<32x10112xi32, #tpu.memory_space<hbm>>, %arg3: memref<32x10112xi32, #tpu.memory_space<hbm>>, %arg4: memref<32x10112xf32, #tpu.memory_space<hbm>>, %arg5: memref<10000x128xf32, #tpu.memory_space<hbm>>, %arg6: memref<2x10240x128xf32, #tpu.memory_space<hbm>>, %arg7: memref<10112xi32, #tpu.memory_space<vmem>>, %arg8: memref<10112xi32, #tpu.memory_space<vmem>>, %arg9: memref<10112xf32, #tpu.memory_space<vmem>>, %arg10: memref<64x128xf32, #tpu.memory_space<vmem>>, %arg11: memref<64x128xf32, #tpu.memory_space<vmem>>, %arg12: memref<10240x128xf32, #tpu.memory_space<vmem_shared>>, %arg13: memref<!tpu.dma_semaphore, #tpu.memory_space<semaphore_mem>>, %arg14: memref<!tpu.dma_semaphore, #tpu.memory_space<semaphore_mem>>, %arg15: memref<!tpu.dma_semaphore, #tpu.memory_space<semaphore_mem>>, %arg16: memref<!tpu.dma_semaphore, #tpu.memory_space<semaphore_mem>>) attributes {dimension_semantics = [#tpu.dimension_semantics<core_parallel>, #tpu.dimension_semantics<subcore_parallel>], iteration_bounds = array<i64: 2, 16>, scalar_prefetch = 0 : i64, scratch_operands = 10 : i64, tpu.core_type = #tpu.core_type<sc_vector_subcore>, window_params = [{transform_indices = #map}, {transform_indices = #map}, {transform_indices = #map}, {transform_indices = #map}, {transform_indices = #map1}]} {
    %mul3A = arith.constant 2 : i32
    %mul3A_0 = arith.muli %arg1, %mul3A : i32
    %add3A = arith.addi %mul3A_0, %arg0 : i32
    "tpu.region"() ({
      %run_scoped3A = tpu.sem_alloc : memref<!tpu.dma_semaphore, #tpu.memory_space<semaphore_mem>>
      %dma_start3A_78 = arith.constant 0 : i32
      %dma_start3A_79 = tpu.memref_slice %arg2[%add3A, %dma_start3A_78] : memref<32x10112xi32, #tpu.memory_space<hbm>> -> memref<1x10112xi32, #tpu.memory_space<hbm>>
      %dma_start3A_80 = tpu.memref_squeeze %dma_start3A_79 : memref<1x10112xi32, #tpu.memory_space<hbm>> -> memref<10112xi32, #tpu.memory_space<hbm>>
      %dma_start3A_81 = arith.constant 0 : i32
      %dma_start3A_82 = tpu.memref_slice %arg2[%add3A, %dma_start3A_81] : memref<32x10112xi32, #tpu.memory_space<hbm>> -> memref<1x10112xi32, #tpu.memory_space<hbm>>
      %dma_start3A_83 = tpu.memref_squeeze %dma_start3A_82 : memref<1x10112xi32, #tpu.memory_space<hbm>> -> memref<10112xi32, #tpu.memory_space<hbm>>
      tpu.enqueue_dma source(%dma_start3A_83 : memref<10112xi32, #tpu.memory_space<hbm>>) target(%arg7 : memref<10112xi32, #tpu.memory_space<vmem>>) target_semaphore(%run_scoped3A : memref<!tpu.dma_semaphore, #tpu.memory_space<semaphore_mem>>)
      %dma_wait3A_84 = arith.constant 0 : i32
      %dma_wait3A_85 = tpu.memref_slice %arg2[%add3A, %dma_wait3A_84] : memref<32x10112xi32, #tpu.memory_space<hbm>> -> memref<1x10112xi32, #tpu.memory_space<hbm>>
      %dma_wait3A_86 = tpu.memref_squeeze %dma_wait3A_85 : memref<1x10112xi32, #tpu.memory_space<hbm>> -> memref<10112xi32, #tpu.memory_space<hbm>>
      %dma_wait3A_87 = arith.constant 0 : i32
      %dma_wait3A_88 = tpu.memref_slice %arg2[%add3A, %dma_wait3A_87] : memref<32x10112xi32, #tpu.memory_space<hbm>> -> memref<1x10112xi32, #tpu.memory_space<hbm>>
      %dma_wait3A_89 = tpu.memref_squeeze %dma_wait3A_88 : memref<1x10112xi32, #tpu.memory_space<hbm>> -> memref<10112xi32, #tpu.memory_space<hbm>>
      tpu.wait_dma2 semaphore(%run_scoped3A : memref<!tpu.dma_semaphore, #tpu.memory_space<semaphore_mem>>) src(%dma_wait3A_89 : memref<10112xi32, #tpu.memory_space<hbm>>) dst(%arg7 : memref<10112xi32, #tpu.memory_space<vmem>>)
      tpu.yield
    }) : () -> ()
    "tpu.region"() ({
      %run_scoped3A = tpu.sem_alloc : memref<!tpu.dma_semaphore, #tpu.memory_space<semaphore_mem>>
      %dma_start3A_78 = arith.constant 0 : i32
      %dma_start3A_79 = tpu.memref_slice %arg3[%add3A, %dma_start3A_78] : memref<32x10112xi32, #tpu.memory_space<hbm>> -> memref<1x10112xi32, #tpu.memory_space<hbm>>
      %dma_start3A_80 = tpu.memref_squeeze %dma_start3A_79 : memref<1x10112xi32, #tpu.memory_space<hbm>> -> memref<10112xi32, #tpu.memory_space<hbm>>
      %dma_start3A_81 = arith.constant 0 : i32
      %dma_start3A_82 = tpu.memref_slice %arg3[%add3A, %dma_start3A_81] : memref<32x10112xi32, #tpu.memory_space<hbm>> -> memref<1x10112xi32, #tpu.memory_space<hbm>>
      %dma_start3A_83 = tpu.memref_squeeze %dma_start3A_82 : memref<1x10112xi32, #tpu.memory_space<hbm>> -> memref<10112xi32, #tpu.memory_space<hbm>>
      tpu.enqueue_dma source(%dma_start3A_83 : memref<10112xi32, #tpu.memory_space<hbm>>) target(%arg8 : memref<10112xi32, #tpu.memory_space<vmem>>) target_semaphore(%run_scoped3A : memref<!tpu.dma_semaphore, #tpu.memory_space<semaphore_mem>>)
      %dma_wait3A_84 = arith.constant 0 : i32
      %dma_wait3A_85 = tpu.memref_slice %arg3[%add3A, %dma_wait3A_84] : memref<32x10112xi32, #tpu.memory_space<hbm>> -> memref<1x10112xi32, #tpu.memory_space<hbm>>
      %dma_wait3A_86 = tpu.memref_squeeze %dma_wait3A_85 : memref<1x10112xi32, #tpu.memory_space<hbm>> -> memref<10112xi32, #tpu.memory_space<hbm>>
      %dma_wait3A_87 = arith.constant 0 : i32
      %dma_wait3A_88 = tpu.memref_slice %arg3[%add3A, %dma_wait3A_87] : memref<32x10112xi32, #tpu.memory_space<hbm>> -> memref<1x10112xi32, #tpu.memory_space<hbm>>
      %dma_wait3A_89 = tpu.memref_squeeze %dma_wait3A_88 : memref<1x10112xi32, #tpu.memory_space<hbm>> -> memref<10112xi32, #tpu.memory_space<hbm>>
      tpu.wait_dma2 semaphore(%run_scoped3A : memref<!tpu.dma_semaphore, #tpu.memory_space<semaphore_mem>>) src(%dma_wait3A_89 : memref<10112xi32, #tpu.memory_space<hbm>>) dst(%arg8 : memref<10112xi32, #tpu.memory_space<vmem>>)
      tpu.yield
    }) : () -> ()
    "tpu.region"() ({
      %run_scoped3A = tpu.sem_alloc : memref<!tpu.dma_semaphore, #tpu.memory_space<semaphore_mem>>
      %dma_start3A_78 = arith.constant 0 : i32
      %dma_start3A_79 = tpu.memref_slice %arg4[%add3A, %dma_start3A_78] : memref<32x10112xf32, #tpu.memory_space<hbm>> -> memref<1x10112xf32, #tpu.memory_space<hbm>>
      %dma_start3A_80 = tpu.memref_squeeze %dma_start3A_79 : memref<1x10112xf32, #tpu.memory_space<hbm>> -> memref<10112xf32, #tpu.memory_space<hbm>>
      %dma_start3A_81 = arith.constant 0 : i32
      %dma_start3A_82 = tpu.memref_slice %arg4[%add3A, %dma_start3A_81] : memref<32x10112xf32, #tpu.memory_space<hbm>> -> memref<1x10112xf32, #tpu.memory_space<hbm>>
      %dma_start3A_83 = tpu.memref_squeeze %dma_start3A_82 : memref<1x10112xf32, #tpu.memory_space<hbm>> -> memref<10112xf32, #tpu.memory_space<hbm>>
      tpu.enqueue_dma source(%dma_start3A_83 : memref<10112xf32, #tpu.memory_space<hbm>>) target(%arg9 : memref<10112xf32, #tpu.memory_space<vmem>>) target_semaphore(%run_scoped3A : memref<!tpu.dma_semaphore, #tpu.memory_space<semaphore_mem>>)
      %dma_wait3A_84 = arith.constant 0 : i32
      %dma_wait3A_85 = tpu.memref_slice %arg4[%add3A, %dma_wait3A_84] : memref<32x10112xf32, #tpu.memory_space<hbm>> -> memref<1x10112xf32, #tpu.memory_space<hbm>>
      %dma_wait3A_86 = tpu.memref_squeeze %dma_wait3A_85 : memref<1x10112xf32, #tpu.memory_space<hbm>> -> memref<10112xf32, #tpu.memory_space<hbm>>
      %dma_wait3A_87 = arith.constant 0 : i32
      %dma_wait3A_88 = tpu.memref_slice %arg4[%add3A, %dma_wait3A_87] : memref<32x10112xf32, #tpu.memory_space<hbm>> -> memref<1x10112xf32, #tpu.memory_space<hbm>>
      %dma_wait3A_89 = tpu.memref_squeeze %dma_wait3A_88 : memref<1x10112xf32, #tpu.memory_space<hbm>> -> memref<10112xf32, #tpu.memory_space<hbm>>
      tpu.wait_dma2 semaphore(%run_scoped3A : memref<!tpu.dma_semaphore, #tpu.memory_space<semaphore_mem>>) src(%dma_wait3A_89 : memref<10112xf32, #tpu.memory_space<hbm>>) dst(%arg9 : memref<10112xf32, #tpu.memory_space<vmem>>)
      tpu.yield
    }) : () -> ()
    %broadcast_in_dim3A = arith.constant 0.000000e+00 : f32
    %broadcast_in_dim3A_1 = vector.broadcast %broadcast_in_dim3A : f32 to vector<16xf32>
    %scan3A = arith.constant 0 : i32
    %scan3A_2 = arith.constant 0 : i32
    %scan3A_3 = arith.constant 512 : i32
    %scan3A_4 = arith.addi %scan3A_2, %scan3A_3 : i32
    %scan3A_5 = arith.constant 1 : i32
    scf.for %scan3A_78 = %scan3A_2 to %scan3A_4 step %scan3A_5  : i32 {
      %jit3A = arith.constant 8 : i32
      %div3A = arith.divsi %scan3A_78, %jit3A : i32
      %sign3A = arith.constant 0 : i32
      %sign3A_79 = arith.cmpi sgt, %scan3A_78, %sign3A : i32
      %sign3A_80 = arith.extui %sign3A_79 : i1 to i32
      %sign3A_81 = arith.constant 0 : i32
      %sign3A_82 = arith.cmpi slt, %scan3A_78, %sign3A_81 : i32
      %sign3A_83 = arith.extui %sign3A_82 : i1 to i32
      %sign3A_84 = arith.subi %sign3A_80, %sign3A_83 : i32
      %sign3A_85 = arith.constant 0 : i32
      %sign3A_86 = arith.cmpi sgt, %jit3A, %sign3A_85 : i32
      %sign3A_87 = arith.extui %sign3A_86 : i1 to i32
      %sign3A_88 = arith.constant 0 : i32
      %sign3A_89 = arith.cmpi slt, %jit3A, %sign3A_88 : i32
      %sign3A_90 = arith.extui %sign3A_89 : i1 to i32
      %sign3A_91 = arith.subi %sign3A_87, %sign3A_90 : i32
      %ne3A = arith.cmpi ne, %sign3A_84, %sign3A_91 : i32
      %rem3A = arith.remsi %scan3A_78, %jit3A : i32
      %ne3A_92 = arith.constant 0 : i32
      %ne3A_93 = arith.cmpi ne, %rem3A, %ne3A_92 : i32
      %and3A = arith.andi %ne3A, %ne3A_93 : i1
      %sub3A = arith.constant 1 : i32
      %sub3A_94 = arith.subi %div3A, %sub3A : i32
      %select_n3A = arith.select %and3A, %sub3A_94, %div3A : i32
      %jit3A_95 = arith.constant 8 : i32
      %eq3A = arith.constant 0 : i32
      %eq3A_96 = arith.cmpi eq, %jit3A_95, %eq3A : i32
      %jit3A_97 = arith.constant 1 : i32
      %select_n3A_98 = arith.select %eq3A_96, %jit3A_97, %jit3A_95 : i32
      %rem3A_99 = arith.remsi %scan3A_78, %select_n3A_98 : i32
      %ne3A_100 = arith.constant 0 : i32
      %ne3A_101 = arith.cmpi ne, %rem3A_99, %ne3A_100 : i32
      %lt3A = arith.constant 0 : i32
      %lt3A_102 = arith.cmpi slt, %rem3A_99, %lt3A : i32
      %lt3A_103 = arith.constant 0 : i32
      %lt3A_104 = arith.cmpi slt, %select_n3A_98, %lt3A_103 : i32
      %ne3A_105 = arith.xori %lt3A_102, %lt3A_104 : i1
      %and3A_106 = arith.andi %ne3A_105, %ne3A_101 : i1
      %add3A_107 = arith.addi %rem3A_99, %select_n3A_98 : i32
      %select_n3A_108 = arith.select %and3A_106, %add3A_107, %rem3A_99 : i32
      %mul3A_109 = arith.constant 16 : i32
      %mul3A_110 = arith.muli %select_n3A_108, %mul3A_109 : i32
      %swap3A = arith.index_cast %select_n3A : i32 to index
      %swap3A_111 = arith.index_cast %mul3A_110 : i32 to index
      %swap3A_112 = tpu.vector_load %arg10[%swap3A, %swap3A_111] {strides = array<i32>} : memref<64x128xf32, #tpu.memory_space<vmem>>, vector<16xf32>,
      tpu.vector_store %arg10[%swap3A, %swap3A_111], %broadcast_in_dim3A_1 {strides = array<i32>} : memref<64x128xf32, #tpu.memory_space<vmem>>, vector<16xf32>,
    }
    %scan3A_6 = arith.constant 512 : i32
    %mul3A_7 = arith.constant 640 : i32
    %mul3A_8 = arith.muli %arg1, %mul3A_7 : i32
    %add3A_9 = arith.constant 0 : i32
    %add3A_10 = arith.addi %mul3A_8, %add3A_9 : i32
    "tpu.region"() ({
      %run_scoped3A = tpu.sem_alloc : memref<!tpu.dma_semaphore, #tpu.memory_space<semaphore_mem>>
      %dma_start3A_78 = arith.constant 0 : i32
      %dma_start3A_79 = tpu.memref_slice %arg12[%add3A_10, %dma_start3A_78] : memref<10240x128xf32, #tpu.memory_space<vmem_shared>> -> memref<64x128xf32, #tpu.memory_space<vmem_shared>>
      %dma_start3A_80 = arith.constant 0 : i32
      %dma_start3A_81 = tpu.memref_slice %arg12[%add3A_10, %dma_start3A_80] : memref<10240x128xf32, #tpu.memory_space<vmem_shared>> -> memref<64x128xf32, #tpu.memory_space<vmem_shared>>
      tpu.enqueue_dma source(%arg10 : memref<64x128xf32, #tpu.memory_space<vmem>>) target(%dma_start3A_81 : memref<64x128xf32, #tpu.memory_space<vmem_shared>>) target_semaphore(%run_scoped3A : memref<!tpu.dma_semaphore, #tpu.memory_space<semaphore_mem>>)
      %dma_wait3A_82 = arith.constant 0 : i32
      %dma_wait3A_83 = tpu.memref_slice %arg12[%add3A_10, %dma_wait3A_82] : memref<10240x128xf32, #tpu.memory_space<vmem_shared>> -> memref<64x128xf32, #tpu.memory_space<vmem_shared>>
      %dma_wait3A_84 = arith.constant 0 : i32
      %dma_wait3A_85 = tpu.memref_slice %arg12[%add3A_10, %dma_wait3A_84] : memref<10240x128xf32, #tpu.memory_space<vmem_shared>> -> memref<64x128xf32, #tpu.memory_space<vmem_shared>>
      tpu.wait_dma2 semaphore(%run_scoped3A : memref<!tpu.dma_semaphore, #tpu.memory_space<semaphore_mem>>) src(%arg10 : memref<64x128xf32, #tpu.memory_space<vmem>>) dst(%dma_wait3A_85 : memref<64x128xf32, #tpu.memory_space<vmem_shared>>)
      tpu.yield
    }) : () -> ()
    %mul3A_11 = arith.constant 640 : i32
    %mul3A_12 = arith.muli %arg1, %mul3A_11 : i32
    %add3A_13 = arith.constant 64 : i32
    %add3A_14 = arith.addi %mul3A_12, %add3A_13 : i32
    "tpu.region"() ({
      %run_scoped3A = tpu.sem_alloc : memref<!tpu.dma_semaphore, #tpu.memory_space<semaphore_mem>>
      %dma_start3A_78 = arith.constant 0 : i32
      %dma_start3A_79 = tpu.memref_slice %arg12[%add3A_14, %dma_start3A_78] : memref<10240x128xf32, #tpu.memory_space<vmem_shared>> -> memref<64x128xf32, #tpu.memory_space<vmem_shared>>
      %dma_start3A_80 = arith.constant 0 : i32
      %dma_start3A_81 = tpu.memref_slice %arg12[%add3A_14, %dma_start3A_80] : memref<10240x128xf32, #tpu.memory_space<vmem_shared>> -> memref<64x128xf32, #tpu.memory_space<vmem_shared>>
      tpu.enqueue_dma source(%arg10 : memref<64x128xf32, #tpu.memory_space<vmem>>) target(%dma_start3A_81 : memref<64x128xf32, #tpu.memory_space<vmem_shared>>) target_semaphore(%run_scoped3A : memref<!tpu.dma_semaphore, #tpu.memory_space<semaphore_mem>>)
      %dma_wait3A_82 = arith.constant 0 : i32
      %dma_wait3A_83 = tpu.memref_slice %arg12[%add3A_14, %dma_wait3A_82] : memref<10240x128xf32, #tpu.memory_space<vmem_shared>> -> memref<64x128xf32, #tpu.memory_space<vmem_shared>>
      %dma_wait3A_84 = arith.constant 0 : i32
      %dma_wait3A_85 = tpu.memref_slice %arg12[%add3A_14, %dma_wait3A_84] : memref<10240x128xf32, #tpu.memory_space<vmem_shared>> -> memref<64x128xf32, #tpu.memory_space<vmem_shared>>
      tpu.wait_dma2 semaphore(%run_scoped3A : memref<!tpu.dma_semaphore, #tpu.memory_space<semaphore_mem>>) src(%arg10 : memref<64x128xf32, #tpu.memory_space<vmem>>) dst(%dma_wait3A_85 : memref<64x128xf32, #tpu.memory_space<vmem_shared>>)
      tpu.yield
    }) : () -> ()
    %mul3A_15 = arith.constant 640 : i32
    %mul3A_16 = arith.muli %arg1, %mul3A_15 : i32
    %add3A_17 = arith.constant 128 : i32
    %add3A_18 = arith.addi %mul3A_16, %add3A_17 : i32
    "tpu.region"() ({
      %run_scoped3A = tpu.sem_alloc : memref<!tpu.dma_semaphore, #tpu.memory_space<semaphore_mem>>
      %dma_start3A_78 = arith.constant 0 : i32
      %dma_start3A_79 = tpu.memref_slice %arg12[%add3A_18, %dma_start3A_78] : memref<10240x128xf32, #tpu.memory_space<vmem_shared>> -> memref<64x128xf32, #tpu.memory_space<vmem_shared>>
      %dma_start3A_80 = arith.constant 0 : i32
      %dma_start3A_81 = tpu.memref_slice %arg12[%add3A_18, %dma_start3A_80] : memref<10240x128xf32, #tpu.memory_space<vmem_shared>> -> memref<64x128xf32, #tpu.memory_space<vmem_shared>>
      tpu.enqueue_dma source(%arg10 : memref<64x128xf32, #tpu.memory_space<vmem>>) target(%dma_start3A_81 : memref<64x128xf32, #tpu.memory_space<vmem_shared>>) target_semaphore(%run_scoped3A : memref<!tpu.dma_semaphore, #tpu.memory_space<semaphore_mem>>)
      %dma_wait3A_82 = arith.constant 0 : i32
      %dma_wait3A_83 = tpu.memref_slice %arg12[%add3A_18, %dma_wait3A_82] : memref<10240x128xf32, #tpu.memory_space<vmem_shared>> -> memref<64x128xf32, #tpu.memory_space<vmem_shared>>
      %dma_wait3A_84 = arith.constant 0 : i32
      %dma_wait3A_85 = tpu.memref_slice %arg12[%add3A_18, %dma_wait3A_84] : memref<10240x128xf32, #tpu.memory_space<vmem_shared>> -> memref<64x128xf32, #tpu.memory_space<vmem_shared>>
      tpu.wait_dma2 semaphore(%run_scoped3A : memref<!tpu.dma_semaphore, #tpu.memory_space<semaphore_mem>>) src(%arg10 : memref<64x128xf32, #tpu.memory_space<vmem>>) dst(%dma_wait3A_85 : memref<64x128xf32, #tpu.memory_space<vmem_shared>>)
      tpu.yield
    }) : () -> ()
    %mul3A_19 = arith.constant 640 : i32
    %mul3A_20 = arith.muli %arg1, %mul3A_19 : i32
    %add3A_21 = arith.constant 192 : i32
    %add3A_22 = arith.addi %mul3A_20, %add3A_21 : i32
    "tpu.region"() ({
      %run_scoped3A = tpu.sem_alloc : memref<!tpu.dma_semaphore, #tpu.memory_space<semaphore_mem>>
      %dma_start3A_78 = arith.constant 0 : i32
      %dma_start3A_79 = tpu.memref_slice %arg12[%add3A_22, %dma_start3A_78] : memref<10240x128xf32, #tpu.memory_space<vmem_shared>> -> memref<64x128xf32, #tpu.memory_space<vmem_shared>>
      %dma_start3A_80 = arith.constant 0 : i32
      %dma_start3A_81 = tpu.memref_slice %arg12[%add3A_22, %dma_start3A_80] : memref<10240x128xf32, #tpu.memory_space<vmem_shared>> -> memref<64x128xf32, #tpu.memory_space<vmem_shared>>
      tpu.enqueue_dma source(%arg10 : memref<64x128xf32, #tpu.memory_space<vmem>>) target(%dma_start3A_81 : memref<64x128xf32, #tpu.memory_space<vmem_shared>>) target_semaphore(%run_scoped3A : memref<!tpu.dma_semaphore, #tpu.memory_space<semaphore_mem>>)
      %dma_wait3A_82 = arith.constant 0 : i32
      %dma_wait3A_83 = tpu.memref_slice %arg12[%add3A_22, %dma_wait3A_82] : memref<10240x128xf32, #tpu.memory_space<vmem_shared>> -> memref<64x128xf32, #tpu.memory_space<vmem_shared>>
      %dma_wait3A_84 = arith.constant 0 : i32
      %dma_wait3A_85 = tpu.memref_slice %arg12[%add3A_22, %dma_wait3A_84] : memref<10240x128xf32, #tpu.memory_space<vmem_shared>> -> memref<64x128xf32, #tpu.memory_space<vmem_shared>>
      tpu.wait_dma2 semaphore(%run_scoped3A : memref<!tpu.dma_semaphore, #tpu.memory_space<semaphore_mem>>) src(%arg10 : memref<64x128xf32, #tpu.memory_space<vmem>>) dst(%dma_wait3A_85 : memref<64x128xf32, #tpu.memory_space<vmem_shared>>)
      tpu.yield
    }) : () -> ()
    %mul3A_23 = arith.constant 640 : i32
    %mul3A_24 = arith.muli %arg1, %mul3A_23 : i32
    %add3A_25 = arith.constant 256 : i32
    %add3A_26 = arith.addi %mul3A_24, %add3A_25 : i32
    "tpu.region"() ({
      %run_scoped3A = tpu.sem_alloc : memref<!tpu.dma_semaphore, #tpu.memory_space<semaphore_mem>>
      %dma_start3A_78 = arith.constant 0 : i32
      %dma_start3A_79 = tpu.memref_slice %arg12[%add3A_26, %dma_start3A_78] : memref<10240x128xf32, #tpu.memory_space<vmem_shared>> -> memref<64x128xf32, #tpu.memory_space<vmem_shared>>
      %dma_start3A_80 = arith.constant 0 : i32
      %dma_start3A_81 = tpu.memref_slice %arg12[%add3A_26, %dma_start3A_80] : memref<10240x128xf32, #tpu.memory_space<vmem_shared>> -> memref<64x128xf32, #tpu.memory_space<vmem_shared>>
      tpu.enqueue_dma source(%arg10 : memref<64x128xf32, #tpu.memory_space<vmem>>) target(%dma_start3A_81 : memref<64x128xf32, #tpu.memory_space<vmem_shared>>) target_semaphore(%run_scoped3A : memref<!tpu.dma_semaphore, #tpu.memory_space<semaphore_mem>>)
      %dma_wait3A_82 = arith.constant 0 : i32
      %dma_wait3A_83 = tpu.memref_slice %arg12[%add3A_26, %dma_wait3A_82] : memref<10240x128xf32, #tpu.memory_space<vmem_shared>> -> memref<64x128xf32, #tpu.memory_space<vmem_shared>>
      %dma_wait3A_84 = arith.constant 0 : i32
      %dma_wait3A_85 = tpu.memref_slice %arg12[%add3A_26, %dma_wait3A_84] : memref<10240x128xf32, #tpu.memory_space<vmem_shared>> -> memref<64x128xf32, #tpu.memory_space<vmem_shared>>
      tpu.wait_dma2 semaphore(%run_scoped3A : memref<!tpu.dma_semaphore, #tpu.memory_space<semaphore_mem>>) src(%arg10 : memref<64x128xf32, #tpu.memory_space<vmem>>) dst(%dma_wait3A_85 : memref<64x128xf32, #tpu.memory_space<vmem_shared>>)
      tpu.yield
    }) : () -> ()
    %mul3A_27 = arith.constant 640 : i32
    %mul3A_28 = arith.muli %arg1, %mul3A_27 : i32
    %add3A_29 = arith.constant 320 : i32
    %add3A_30 = arith.addi %mul3A_28, %add3A_29 : i32
    "tpu.region"() ({
      %run_scoped3A = tpu.sem_alloc : memref<!tpu.dma_semaphore, #tpu.memory_space<semaphore_mem>>
      %dma_start3A_78 = arith.constant 0 : i32
      %dma_start3A_79 = tpu.memref_slice %arg12[%add3A_30, %dma_start3A_78] : memref<10240x128xf32, #tpu.memory_space<vmem_shared>> -> memref<64x128xf32, #tpu.memory_space<vmem_shared>>
      %dma_start3A_80 = arith.constant 0 : i32
      %dma_start3A_81 = tpu.memref_slice %arg12[%add3A_30, %dma_start3A_80] : memref<10240x128xf32, #tpu.memory_space<vmem_shared>> -> memref<64x128xf32, #tpu.memory_space<vmem_shared>>
      tpu.enqueue_dma source(%arg10 : memref<64x128xf32, #tpu.memory_space<vmem>>) target(%dma_start3A_81 : memref<64x128xf32, #tpu.memory_space<vmem_shared>>) target_semaphore(%run_scoped3A : memref<!tpu.dma_semaphore, #tpu.memory_space<semaphore_mem>>)
      %dma_wait3A_82 = arith.constant 0 : i32
      %dma_wait3A_83 = tpu.memref_slice %arg12[%add3A_30, %dma_wait3A_82] : memref<10240x128xf32, #tpu.memory_space<vmem_shared>> -> memref<64x128xf32, #tpu.memory_space<vmem_shared>>
      %dma_wait3A_84 = arith.constant 0 : i32
      %dma_wait3A_85 = tpu.memref_slice %arg12[%add3A_30, %dma_wait3A_84] : memref<10240x128xf32, #tpu.memory_space<vmem_shared>> -> memref<64x128xf32, #tpu.memory_space<vmem_shared>>
      tpu.wait_dma2 semaphore(%run_scoped3A : memref<!tpu.dma_semaphore, #tpu.memory_space<semaphore_mem>>) src(%arg10 : memref<64x128xf32, #tpu.memory_space<vmem>>) dst(%dma_wait3A_85 : memref<64x128xf32, #tpu.memory_space<vmem_shared>>)
      tpu.yield
    }) : () -> ()
    %mul3A_31 = arith.constant 640 : i32
    %mul3A_32 = arith.muli %arg1, %mul3A_31 : i32
    %add3A_33 = arith.constant 384 : i32
    %add3A_34 = arith.addi %mul3A_32, %add3A_33 : i32
    "tpu.region"() ({
      %run_scoped3A = tpu.sem_alloc : memref<!tpu.dma_semaphore, #tpu.memory_space<semaphore_mem>>
      %dma_start3A_78 = arith.constant 0 : i32
      %dma_start3A_79 = tpu.memref_slice %arg12[%add3A_34, %dma_start3A_78] : memref<10240x128xf32, #tpu.memory_space<vmem_shared>> -> memref<64x128xf32, #tpu.memory_space<vmem_shared>>
      %dma_start3A_80 = arith.constant 0 : i32
      %dma_start3A_81 = tpu.memref_slice %arg12[%add3A_34, %dma_start3A_80] : memref<10240x128xf32, #tpu.memory_space<vmem_shared>> -> memref<64x128xf32, #tpu.memory_space<vmem_shared>>
      tpu.enqueue_dma source(%arg10 : memref<64x128xf32, #tpu.memory_space<vmem>>) target(%dma_start3A_81 : memref<64x128xf32, #tpu.memory_space<vmem_shared>>) target_semaphore(%run_scoped3A : memref<!tpu.dma_semaphore, #tpu.memory_space<semaphore_mem>>)
      %dma_wait3A_82 = arith.constant 0 : i32
      %dma_wait3A_83 = tpu.memref_slice %arg12[%add3A_34, %dma_wait3A_82] : memref<10240x128xf32, #tpu.memory_space<vmem_shared>> -> memref<64x128xf32, #tpu.memory_space<vmem_shared>>
      %dma_wait3A_84 = arith.constant 0 : i32
      %dma_wait3A_85 = tpu.memref_slice %arg12[%add3A_34, %dma_wait3A_84] : memref<10240x128xf32, #tpu.memory_space<vmem_shared>> -> memref<64x128xf32, #tpu.memory_space<vmem_shared>>
      tpu.wait_dma2 semaphore(%run_scoped3A : memref<!tpu.dma_semaphore, #tpu.memory_space<semaphore_mem>>) src(%arg10 : memref<64x128xf32, #tpu.memory_space<vmem>>) dst(%dma_wait3A_85 : memref<64x128xf32, #tpu.memory_space<vmem_shared>>)
      tpu.yield
    }) : () -> ()
    %mul3A_35 = arith.constant 640 : i32
    %mul3A_36 = arith.muli %arg1, %mul3A_35 : i32
    %add3A_37 = arith.constant 448 : i32
    %add3A_38 = arith.addi %mul3A_36, %add3A_37 : i32
    "tpu.region"() ({
      %run_scoped3A = tpu.sem_alloc : memref<!tpu.dma_semaphore, #tpu.memory_space<semaphore_mem>>
      %dma_start3A_78 = arith.constant 0 : i32
      %dma_start3A_79 = tpu.memref_slice %arg12[%add3A_38, %dma_start3A_78] : memref<10240x128xf32, #tpu.memory_space<vmem_shared>> -> memref<64x128xf32, #tpu.memory_space<vmem_shared>>
      %dma_start3A_80 = arith.constant 0 : i32
      %dma_start3A_81 = tpu.memref_slice %arg12[%add3A_38, %dma_start3A_80] : memref<10240x128xf32, #tpu.memory_space<vmem_shared>> -> memref<64x128xf32, #tpu.memory_space<vmem_shared>>
      tpu.enqueue_dma source(%arg10 : memref<64x128xf32, #tpu.memory_space<vmem>>) target(%dma_start3A_81 : memref<64x128xf32, #tpu.memory_space<vmem_shared>>) target_semaphore(%run_scoped3A : memref<!tpu.dma_semaphore, #tpu.memory_space<semaphore_mem>>)
      %dma_wait3A_82 = arith.constant 0 : i32
      %dma_wait3A_83 = tpu.memref_slice %arg12[%add3A_38, %dma_wait3A_82] : memref<10240x128xf32, #tpu.memory_space<vmem_shared>> -> memref<64x128xf32, #tpu.memory_space<vmem_shared>>
      %dma_wait3A_84 = arith.constant 0 : i32
      %dma_wait3A_85 = tpu.memref_slice %arg12[%add3A_38, %dma_wait3A_84] : memref<10240x128xf32, #tpu.memory_space<vmem_shared>> -> memref<64x128xf32, #tpu.memory_space<vmem_shared>>
      tpu.wait_dma2 semaphore(%run_scoped3A : memref<!tpu.dma_semaphore, #tpu.memory_space<semaphore_mem>>) src(%arg10 : memref<64x128xf32, #tpu.memory_space<vmem>>) dst(%dma_wait3A_85 : memref<64x128xf32, #tpu.memory_space<vmem_shared>>)
      tpu.yield
    }) : () -> ()
    %mul3A_39 = arith.constant 640 : i32
    %mul3A_40 = arith.muli %arg1, %mul3A_39 : i32
    %add3A_41 = arith.constant 512 : i32
    %add3A_42 = arith.addi %mul3A_40, %add3A_41 : i32
    "tpu.region"() ({
      %run_scoped3A = tpu.sem_alloc : memref<!tpu.dma_semaphore, #tpu.memory_space<semaphore_mem>>
      %dma_start3A_78 = arith.constant 0 : i32
      %dma_start3A_79 = tpu.memref_slice %arg12[%add3A_42, %dma_start3A_78] : memref<10240x128xf32, #tpu.memory_space<vmem_shared>> -> memref<64x128xf32, #tpu.memory_space<vmem_shared>>
      %dma_start3A_80 = arith.constant 0 : i32
      %dma_start3A_81 = tpu.memref_slice %arg12[%add3A_42, %dma_start3A_80] : memref<10240x128xf32, #tpu.memory_space<vmem_shared>> -> memref<64x128xf32, #tpu.memory_space<vmem_shared>>
      tpu.enqueue_dma source(%arg10 : memref<64x128xf32, #tpu.memory_space<vmem>>) target(%dma_start3A_81 : memref<64x128xf32, #tpu.memory_space<vmem_shared>>) target_semaphore(%run_scoped3A : memref<!tpu.dma_semaphore, #tpu.memory_space<semaphore_mem>>)
      %dma_wait3A_82 = arith.constant 0 : i32
      %dma_wait3A_83 = tpu.memref_slice %arg12[%add3A_42, %dma_wait3A_82] : memref<10240x128xf32, #tpu.memory_space<vmem_shared>> -> memref<64x128xf32, #tpu.memory_space<vmem_shared>>
      %dma_wait3A_84 = arith.constant 0 : i32
      %dma_wait3A_85 = tpu.memref_slice %arg12[%add3A_42, %dma_wait3A_84] : memref<10240x128xf32, #tpu.memory_space<vmem_shared>> -> memref<64x128xf32, #tpu.memory_space<vmem_shared>>
      tpu.wait_dma2 semaphore(%run_scoped3A : memref<!tpu.dma_semaphore, #tpu.memory_space<semaphore_mem>>) src(%arg10 : memref<64x128xf32, #tpu.memory_space<vmem>>) dst(%dma_wait3A_85 : memref<64x128xf32, #tpu.memory_space<vmem_shared>>)
      tpu.yield
    }) : () -> ()
    %mul3A_43 = arith.constant 640 : i32
    %mul3A_44 = arith.muli %arg1, %mul3A_43 : i32
    %add3A_45 = arith.constant 576 : i32
    %add3A_46 = arith.addi %mul3A_44, %add3A_45 : i32
    "tpu.region"() ({
      %run_scoped3A = tpu.sem_alloc : memref<!tpu.dma_semaphore, #tpu.memory_space<semaphore_mem>>
      %dma_start3A_78 = arith.constant 0 : i32
      %dma_start3A_79 = tpu.memref_slice %arg12[%add3A_46, %dma_start3A_78] : memref<10240x128xf32, #tpu.memory_space<vmem_shared>> -> memref<64x128xf32, #tpu.memory_space<vmem_shared>>
      %dma_start3A_80 = arith.constant 0 : i32
      %dma_start3A_81 = tpu.memref_slice %arg12[%add3A_46, %dma_start3A_80] : memref<10240x128xf32, #tpu.memory_space<vmem_shared>> -> memref<64x128xf32, #tpu.memory_space<vmem_shared>>
      tpu.enqueue_dma source(%arg10 : memref<64x128xf32, #tpu.memory_space<vmem>>) target(%dma_start3A_81 : memref<64x128xf32, #tpu.memory_space<vmem_shared>>) target_semaphore(%run_scoped3A : memref<!tpu.dma_semaphore, #tpu.memory_space<semaphore_mem>>)
      %dma_wait3A_82 = arith.constant 0 : i32
      %dma_wait3A_83 = tpu.memref_slice %arg12[%add3A_46, %dma_wait3A_82] : memref<10240x128xf32, #tpu.memory_space<vmem_shared>> -> memref<64x128xf32, #tpu.memory_space<vmem_shared>>
      %dma_wait3A_84 = arith.constant 0 : i32
      %dma_wait3A_85 = tpu.memref_slice %arg12[%add3A_46, %dma_wait3A_84] : memref<10240x128xf32, #tpu.memory_space<vmem_shared>> -> memref<64x128xf32, #tpu.memory_space<vmem_shared>>
      tpu.wait_dma2 semaphore(%run_scoped3A : memref<!tpu.dma_semaphore, #tpu.memory_space<semaphore_mem>>) src(%arg10 : memref<64x128xf32, #tpu.memory_space<vmem>>) dst(%dma_wait3A_85 : memref<64x128xf32, #tpu.memory_space<vmem_shared>>)
      tpu.yield
    }) : () -> ()
    %barrier3A = arith.constant 0 : index
    tpu.barrier barrier_id(%barrier3A)
    %dma_start3A = arith.constant 0 : i32
    %dma_start3A_47 = tpu.memref_slice %arg7[%dma_start3A] : memref<10112xi32, #tpu.memory_space<vmem>> -> memref<64xi32, #tpu.memory_space<vmem>>
    %dma_start3A_48 = arith.constant 0 : i32
    %dma_start3A_49 = arith.constant 0 : i32
    %dma_start3A_50 = tpu.memref_slice %arg5[%dma_start3A_48, %dma_start3A_49] : memref<10000x128xf32, #tpu.memory_space<hbm>> -> memref<10000x128xf32, #tpu.memory_space<hbm>>
    tpu.enqueue_indirect_dma source(%dma_start3A_50 : memref<10000x128xf32, #tpu.memory_space<hbm>>) target(%arg10 : memref<64x128xf32, #tpu.memory_space<vmem>>) offsets(%dma_start3A_47 : memref<64xi32, #tpu.memory_space<vmem>>) semaphore(%arg13 : memref<!tpu.dma_semaphore, #tpu.memory_space<semaphore_mem>>)
    %dma_start3A_51 = arith.constant 64 : i32
    %dma_start3A_52 = tpu.memref_slice %arg7[%dma_start3A_51] : memref<10112xi32, #tpu.memory_space<vmem>> -> memref<64xi32, #tpu.memory_space<vmem>>
    %dma_start3A_53 = arith.constant 0 : i32
    %dma_start3A_54 = arith.constant 0 : i32
    %dma_start3A_55 = tpu.memref_slice %arg5[%dma_start3A_53, %dma_start3A_54] : memref<10000x128xf32, #tpu.memory_space<hbm>> -> memref<10000x128xf32, #tpu.memory_space<hbm>>
    tpu.enqueue_indirect_dma source(%dma_start3A_55 : memref<10000x128xf32, #tpu.memory_space<hbm>>) target(%arg11 : memref<64x128xf32, #tpu.memory_space<vmem>>) offsets(%dma_start3A_52 : memref<64xi32, #tpu.memory_space<vmem>>) semaphore(%arg14 : memref<!tpu.dma_semaphore, #tpu.memory_space<semaphore_mem>>)
    %scan3A_56 = arith.constant 0 : i32
    %scan3A_57 = arith.constant 0 : i32
    %scan3A_58 = arith.constant 79 : i32
    %scan3A_59 = arith.addi %scan3A_57, %scan3A_58 : i32
    %scan3A_60 = arith.constant 1 : i32
    scf.for %scan3A_78 = %scan3A_57 to %scan3A_59 step %scan3A_60  : i32 {
      %mul3A_79 = arith.constant 2 : i32
      %mul3A_80 = arith.muli %mul3A_79, %scan3A_78 : i32
      %mul3A_81 = arith.constant 2 : i32
      %mul3A_82 = arith.muli %mul3A_81, %scan3A_78 : i32
      %add3A_83 = arith.constant 1 : i32
      %add3A_84 = arith.addi %mul3A_82, %add3A_83 : i32
      %dma_wait3A_85 = arith.constant 0 : i32
      %dma_wait3A_86 = arith.constant 0 : i32
      %dma_wait3A_87 = tpu.memref_slice %arg5[%dma_wait3A_85, %dma_wait3A_86] : memref<10000x128xf32, #tpu.memory_space<hbm>> -> memref<64x128xf32, #tpu.memory_space<hbm>>
      %dma_wait3A_88 = arith.constant 0 : i32
      %dma_wait3A_89 = arith.constant 0 : i32
      %dma_wait3A_90 = tpu.memref_slice %arg5[%dma_wait3A_88, %dma_wait3A_89] : memref<10000x128xf32, #tpu.memory_space<hbm>> -> memref<64x128xf32, #tpu.memory_space<hbm>>
      tpu.wait_dma2 semaphore(%arg13 : memref<!tpu.dma_semaphore, #tpu.memory_space<semaphore_mem>>) src(%dma_wait3A_90 : memref<64x128xf32, #tpu.memory_space<hbm>>) dst(%arg10 : memref<64x128xf32, #tpu.memory_space<vmem>>)
      %mul3A_91 = arith.constant 64 : i32
      %mul3A_92 = arith.muli %mul3A_80, %mul3A_91 : i32
      %scan3A_93 = arith.constant 0 : i32
      %scan3A_94 = arith.constant 0 : i32
      %scan3A_95 = arith.constant 64 : i32
      %scan3A_96 = arith.addi %scan3A_94, %scan3A_95 : i32
      %scan3A_97 = arith.constant 1 : i32
      scf.for %scan3A_133 = %scan3A_94 to %scan3A_96 step %scan3A_97  : i32 {
        %add3A_134 = arith.addi %mul3A_92, %scan3A_133 : i32
        %broadcast_in_dim3A_135 = vector.broadcast %add3A_134 : i32 to vector<16xi32>
        %gather3A = tpu.vector_load_idx %arg9[%broadcast_in_dim3A_135] : memref<10112xf32, #tpu.memory_space<vmem>>[vector<16xi32>], vector<16xf32>,
        %get3A = arith.index_cast %scan3A_133 : i32 to index
        %get3A_136 = arith.constant 0 : index
        %get3A_137 = tpu.vector_load %arg10[%get3A, %get3A_136] {strides = array<i32>} : memref<64x128xf32, #tpu.memory_space<vmem>>, vector<16xf32>,
        %mul3A_138 = arith.mulf %get3A_137, %gather3A : vector<16xf32>
        %swap3A = arith.index_cast %scan3A_133 : i32 to index
        %swap3A_139 = arith.constant 0 : index
        %swap3A_140 = tpu.vector_load %arg10[%swap3A, %swap3A_139] {strides = array<i32>} : memref<64x128xf32, #tpu.memory_space<vmem>>, vector<16xf32>,
        tpu.vector_store %arg10[%swap3A, %swap3A_139], %mul3A_138 {strides = array<i32>} : memref<64x128xf32, #tpu.memory_space<vmem>>, vector<16xf32>,
        %get3A_141 = arith.index_cast %scan3A_133 : i32 to index
        %get3A_142 = arith.constant 16 : index
        %get3A_143 = tpu.vector_load %arg10[%get3A_141, %get3A_142] {strides = array<i32>} : memref<64x128xf32, #tpu.memory_space<vmem>>, vector<16xf32>,
        %mul3A_144 = arith.mulf %get3A_143, %gather3A : vector<16xf32>
        %swap3A_145 = arith.index_cast %scan3A_133 : i32 to index
        %swap3A_146 = arith.constant 16 : index
        %swap3A_147 = tpu.vector_load %arg10[%swap3A_145, %swap3A_146] {strides = array<i32>} : memref<64x128xf32, #tpu.memory_space<vmem>>, vector<16xf32>,
        tpu.vector_store %arg10[%swap3A_145, %swap3A_146], %mul3A_144 {strides = array<i32>} : memref<64x128xf32, #tpu.memory_space<vmem>>, vector<16xf32>,
        %get3A_148 = arith.index_cast %scan3A_133 : i32 to index
        %get3A_149 = arith.constant 32 : index
        %get3A_150 = tpu.vector_load %arg10[%get3A_148, %get3A_149] {strides = array<i32>} : memref<64x128xf32, #tpu.memory_space<vmem>>, vector<16xf32>,
        %mul3A_151 = arith.mulf %get3A_150, %gather3A : vector<16xf32>
        %swap3A_152 = arith.index_cast %scan3A_133 : i32 to index
        %swap3A_153 = arith.constant 32 : index
        %swap3A_154 = tpu.vector_load %arg10[%swap3A_152, %swap3A_153] {strides = array<i32>} : memref<64x128xf32, #tpu.memory_space<vmem>>, vector<16xf32>,
        tpu.vector_store %arg10[%swap3A_152, %swap3A_153], %mul3A_151 {strides = array<i32>} : memref<64x128xf32, #tpu.memory_space<vmem>>, vector<16xf32>,
        %get3A_155 = arith.index_cast %scan3A_133 : i32 to index
        %get3A_156 = arith.constant 48 : index
        %get3A_157 = tpu.vector_load %arg10[%get3A_155, %get3A_156] {strides = array<i32>} : memref<64x128xf32, #tpu.memory_space<vmem>>, vector<16xf32>,
        %mul3A_158 = arith.mulf %get3A_157, %gather3A : vector<16xf32>
        %swap3A_159 = arith.index_cast %scan3A_133 : i32 to index
        %swap3A_160 = arith.constant 48 : index
        %swap3A_161 = tpu.vector_load %arg10[%swap3A_159, %swap3A_160] {strides = array<i32>} : memref<64x128xf32, #tpu.memory_space<vmem>>, vector<16xf32>,
        tpu.vector_store %arg10[%swap3A_159, %swap3A_160], %mul3A_158 {strides = array<i32>} : memref<64x128xf32, #tpu.memory_space<vmem>>, vector<16xf32>,
        %get3A_162 = arith.index_cast %scan3A_133 : i32 to index
        %get3A_163 = arith.constant 64 : index
        %get3A_164 = tpu.vector_load %arg10[%get3A_162, %get3A_163] {strides = array<i32>} : memref<64x128xf32, #tpu.memory_space<vmem>>, vector<16xf32>,
        %mul3A_165 = arith.mulf %get3A_164, %gather3A : vector<16xf32>
        %swap3A_166 = arith.index_cast %scan3A_133 : i32 to index
        %swap3A_167 = arith.constant 64 : index
        %swap3A_168 = tpu.vector_load %arg10[%swap3A_166, %swap3A_167] {strides = array<i32>} : memref<64x128xf32, #tpu.memory_space<vmem>>, vector<16xf32>,
        tpu.vector_store %arg10[%swap3A_166, %swap3A_167], %mul3A_165 {strides = array<i32>} : memref<64x128xf32, #tpu.memory_space<vmem>>, vector<16xf32>,
        %get3A_169 = arith.index_cast %scan3A_133 : i32 to index
        %get3A_170 = arith.constant 80 : index
        %get3A_171 = tpu.vector_load %arg10[%get3A_169, %get3A_170] {strides = array<i32>} : memref<64x128xf32, #tpu.memory_space<vmem>>, vector<16xf32>,
        %mul3A_172 = arith.mulf %get3A_171, %gather3A : vector<16xf32>
        %swap3A_173 = arith.index_cast %scan3A_133 : i32 to index
        %swap3A_174 = arith.constant 80 : index
        %swap3A_175 = tpu.vector_load %arg10[%swap3A_173, %swap3A_174] {strides = array<i32>} : memref<64x128xf32, #tpu.memory_space<vmem>>, vector<16xf32>,
        tpu.vector_store %arg10[%swap3A_173, %swap3A_174], %mul3A_172 {strides = array<i32>} : memref<64x128xf32, #tpu.memory_space<vmem>>, vector<16xf32>,
        %get3A_176 = arith.index_cast %scan3A_133 : i32 to index
        %get3A_177 = arith.constant 96 : index
        %get3A_178 = tpu.vector_load %arg10[%get3A_176, %get3A_177] {strides = array<i32>} : memref<64x128xf32, #tpu.memory_space<vmem>>, vector<16xf32>,
        %mul3A_179 = arith.mulf %get3A_178, %gather3A : vector<16xf32>
        %swap3A_180 = arith.index_cast %scan3A_133 : i32 to index
        %swap3A_181 = arith.constant 96 : index
        %swap3A_182 = tpu.vector_load %arg10[%swap3A_180, %swap3A_181] {strides = array<i32>} : memref<64x128xf32, #tpu.memory_space<vmem>>, vector<16xf32>,
        tpu.vector_store %arg10[%swap3A_180, %swap3A_181], %mul3A_179 {strides = array<i32>} : memref<64x128xf32, #tpu.memory_space<vmem>>, vector<16xf32>,
        %get3A_183 = arith.index_cast %scan3A_133 : i32 to index
        %get3A_184 = arith.constant 112 : index
        %get3A_185 = tpu.vector_load %arg10[%get3A_183, %get3A_184] {strides = array<i32>} : memref<64x128xf32, #tpu.memory_space<vmem>>, vector<16xf32>,
        %mul3A_186 = arith.mulf %get3A_185, %gather3A : vector<16xf32>
        %swap3A_187 = arith.index_cast %scan3A_133 : i32 to index
        %swap3A_188 = arith.constant 112 : index
        %swap3A_189 = tpu.vector_load %arg10[%swap3A_187, %swap3A_188] {strides = array<i32>} : memref<64x128xf32, #tpu.memory_space<vmem>>, vector<16xf32>,
        tpu.vector_store %arg10[%swap3A_187, %swap3A_188], %mul3A_186 {strides = array<i32>} : memref<64x128xf32, #tpu.memory_space<vmem>>, vector<16xf32>,
      }
      %scan3A_98 = arith.constant 64 : i32
      %mul3A_99 = arith.constant 64 : i32
      %mul3A_100 = arith.muli %mul3A_80, %mul3A_99 : i32
      %multiple_of3A = tpu.assume_multiple %mul3A_100, 64 : i32
      %dma_start3A_101 = tpu.memref_slice %arg8[%multiple_of3A] : memref<10112xi32, #tpu.memory_space<vmem>> -> memref<64xi32, #tpu.memory_space<vmem>>
      %dma_start3A_102 = arith.constant 0 : i32
      %dma_start3A_103 = arith.constant 0 : i32
      %dma_start3A_104 = tpu.memref_slice %arg12[%dma_start3A_102, %dma_start3A_103] : memref<10240x128xf32, #tpu.memory_space<vmem_shared>> -> memref<10240x128xf32, #tpu.memory_space<vmem_shared>>
      tpu.enqueue_indirect_dma source(%arg10 : memref<64x128xf32, #tpu.memory_space<vmem>>) target(%dma_start3A_104 : memref<10240x128xf32, #tpu.memory_space<vmem_shared>>) offsets(%dma_start3A_101 : memref<64xi32, #tpu.memory_space<vmem>>) semaphore(%arg15 : memref<!tpu.dma_semaphore, #tpu.memory_space<semaphore_mem>>) {add = true}
      %lt3A = arith.constant 78 : i32
      %lt3A_105 = arith.cmpi slt, %scan3A_78, %lt3A : i32
      %convert_element_type3A = arith.extui %lt3A_105 : i1 to i32
      %cond3A = arith.constant 0 : i32
      %cond3A_106 = arith.cmpi ne, %convert_element_type3A, %cond3A : i32
      scf.if %cond3A_106 {
        %dma_wait3A_133 = arith.constant 0 : i32
        %dma_wait3A_134 = arith.constant 0 : i32
        %dma_wait3A_135 = tpu.memref_slice %arg5[%dma_wait3A_133, %dma_wait3A_134] : memref<10000x128xf32, #tpu.memory_space<hbm>> -> memref<64x128xf32, #tpu.memory_space<hbm>>
        %dma_wait3A_136 = arith.constant 0 : i32
        %dma_wait3A_137 = arith.constant 0 : i32
        %dma_wait3A_138 = tpu.memref_slice %arg5[%dma_wait3A_136, %dma_wait3A_137] : memref<10000x128xf32, #tpu.memory_space<hbm>> -> memref<64x128xf32, #tpu.memory_space<hbm>>
        tpu.wait_dma2 semaphore(%arg15 : memref<!tpu.dma_semaphore, #tpu.memory_space<semaphore_mem>>) src(%dma_wait3A_138 : memref<64x128xf32, #tpu.memory_space<hbm>>) dst(%arg10 : memref<64x128xf32, #tpu.memory_space<vmem>>)
        %add3A_139 = arith.constant 2 : i32
        %add3A_140 = arith.addi %mul3A_80, %add3A_139 : i32
        %mul3A_141 = arith.constant 64 : i32
        %mul3A_142 = arith.muli %add3A_140, %mul3A_141 : i32
        %multiple_of3A_143 = tpu.assume_multiple %mul3A_142, 64 : i32
        %dma_start3A_144 = tpu.memref_slice %arg7[%multiple_of3A_143] : memref<10112xi32, #tpu.memory_space<vmem>> -> memref<64xi32, #tpu.memory_space<vmem>>
        %dma_start3A_145 = arith.constant 0 : i32
        %dma_start3A_146 = arith.constant 0 : i32
        %dma_start3A_147 = tpu.memref_slice %arg5[%dma_start3A_145, %dma_start3A_146] : memref<10000x128xf32, #tpu.memory_space<hbm>> -> memref<10000x128xf32, #tpu.memory_space<hbm>>
        tpu.enqueue_indirect_dma source(%dma_start3A_147 : memref<10000x128xf32, #tpu.memory_space<hbm>>) target(%arg10 : memref<64x128xf32, #tpu.memory_space<vmem>>) offsets(%dma_start3A_144 : memref<64xi32, #tpu.memory_space<vmem>>) semaphore(%arg13 : memref<!tpu.dma_semaphore, #tpu.memory_space<semaphore_mem>>)
      } else {
      }
      %dma_wait3A_107 = arith.constant 0 : i32
      %dma_wait3A_108 = arith.constant 0 : i32
      %dma_wait3A_109 = tpu.memref_slice %arg5[%dma_wait3A_107, %dma_wait3A_108] : memref<10000x128xf32, #tpu.memory_space<hbm>> -> memref<64x128xf32, #tpu.memory_space<hbm>>
      %dma_wait3A_110 = arith.constant 0 : i32
      %dma_wait3A_111 = arith.constant 0 : i32
      %dma_wait3A_112 = tpu.memref_slice %arg5[%dma_wait3A_110, %dma_wait3A_111] : memref<10000x128xf32, #tpu.memory_space<hbm>> -> memref<64x128xf32, #tpu.memory_space<hbm>>
      tpu.wait_dma2 semaphore(%arg14 : memref<!tpu.dma_semaphore, #tpu.memory_space<semaphore_mem>>) src(%dma_wait3A_112 : memref<64x128xf32, #tpu.memory_space<hbm>>) dst(%arg10 : memref<64x128xf32, #tpu.memory_space<vmem>>)
      %mul3A_113 = arith.constant 64 : i32
      %mul3A_114 = arith.muli %add3A_84, %mul3A_113 : i32
      %scan3A_115 = arith.constant 0 : i32
      %scan3A_116 = arith.constant 0 : i32
      %scan3A_117 = arith.constant 64 : i32
      %scan3A_118 = arith.addi %scan3A_116, %scan3A_117 : i32
      %scan3A_119 = arith.constant 1 : i32
      scf.for %scan3A_133 = %scan3A_116 to %scan3A_118 step %scan3A_119  : i32 {
        %add3A_134 = arith.addi %mul3A_114, %scan3A_133 : i32
        %broadcast_in_dim3A_135 = vector.broadcast %add3A_134 : i32 to vector<16xi32>
        %gather3A = tpu.vector_load_idx %arg9[%broadcast_in_dim3A_135] : memref<10112xf32, #tpu.memory_space<vmem>>[vector<16xi32>], vector<16xf32>,
        %get3A = arith.index_cast %scan3A_133 : i32 to index
        %get3A_136 = arith.constant 0 : index
        %get3A_137 = tpu.vector_load %arg11[%get3A, %get3A_136] {strides = array<i32>} : memref<64x128xf32, #tpu.memory_space<vmem>>, vector<16xf32>,
        %mul3A_138 = arith.mulf %get3A_137, %gather3A : vector<16xf32>
        %swap3A = arith.index_cast %scan3A_133 : i32 to index
        %swap3A_139 = arith.constant 0 : index
        %swap3A_140 = tpu.vector_load %arg11[%swap3A, %swap3A_139] {strides = array<i32>} : memref<64x128xf32, #tpu.memory_space<vmem>>, vector<16xf32>,
        tpu.vector_store %arg11[%swap3A, %swap3A_139], %mul3A_138 {strides = array<i32>} : memref<64x128xf32, #tpu.memory_space<vmem>>, vector<16xf32>,
        %get3A_141 = arith.index_cast %scan3A_133 : i32 to index
        %get3A_142 = arith.constant 16 : index
        %get3A_143 = tpu.vector_load %arg11[%get3A_141, %get3A_142] {strides = array<i32>} : memref<64x128xf32, #tpu.memory_space<vmem>>, vector<16xf32>,
        %mul3A_144 = arith.mulf %get3A_143, %gather3A : vector<16xf32>
        %swap3A_145 = arith.index_cast %scan3A_133 : i32 to index
        %swap3A_146 = arith.constant 16 : index
        %swap3A_147 = tpu.vector_load %arg11[%swap3A_145, %swap3A_146] {strides = array<i32>} : memref<64x128xf32, #tpu.memory_space<vmem>>, vector<16xf32>,
        tpu.vector_store %arg11[%swap3A_145, %swap3A_146], %mul3A_144 {strides = array<i32>} : memref<64x128xf32, #tpu.memory_space<vmem>>, vector<16xf32>,
        %get3A_148 = arith.index_cast %scan3A_133 : i32 to index
        %get3A_149 = arith.constant 32 : index
        %get3A_150 = tpu.vector_load %arg11[%get3A_148, %get3A_149] {strides = array<i32>} : memref<64x128xf32, #tpu.memory_space<vmem>>, vector<16xf32>,
        %mul3A_151 = arith.mulf %get3A_150, %gather3A : vector<16xf32>
        %swap3A_152 = arith.index_cast %scan3A_133 : i32 to index
        %swap3A_153 = arith.constant 32 : index
        %swap3A_154 = tpu.vector_load %arg11[%swap3A_152, %swap3A_153] {strides = array<i32>} : memref<64x128xf32, #tpu.memory_space<vmem>>, vector<16xf32>,
        tpu.vector_store %arg11[%swap3A_152, %swap3A_153], %mul3A_151 {strides = array<i32>} : memref<64x128xf32, #tpu.memory_space<vmem>>, vector<16xf32>,
        %get3A_155 = arith.index_cast %scan3A_133 : i32 to index
        %get3A_156 = arith.constant 48 : index
        %get3A_157 = tpu.vector_load %arg11[%get3A_155, %get3A_156] {strides = array<i32>} : memref<64x128xf32, #tpu.memory_space<vmem>>, vector<16xf32>,
        %mul3A_158 = arith.mulf %get3A_157, %gather3A : vector<16xf32>
        %swap3A_159 = arith.index_cast %scan3A_133 : i32 to index
        %swap3A_160 = arith.constant 48 : index
        %swap3A_161 = tpu.vector_load %arg11[%swap3A_159, %swap3A_160] {strides = array<i32>} : memref<64x128xf32, #tpu.memory_space<vmem>>, vector<16xf32>,
        tpu.vector_store %arg11[%swap3A_159, %swap3A_160], %mul3A_158 {strides = array<i32>} : memref<64x128xf32, #tpu.memory_space<vmem>>, vector<16xf32>,
        %get3A_162 = arith.index_cast %scan3A_133 : i32 to index
        %get3A_163 = arith.constant 64 : index
        %get3A_164 = tpu.vector_load %arg11[%get3A_162, %get3A_163] {strides = array<i32>} : memref<64x128xf32, #tpu.memory_space<vmem>>, vector<16xf32>,
        %mul3A_165 = arith.mulf %get3A_164, %gather3A : vector<16xf32>
        %swap3A_166 = arith.index_cast %scan3A_133 : i32 to index
        %swap3A_167 = arith.constant 64 : index
        %swap3A_168 = tpu.vector_load %arg11[%swap3A_166, %swap3A_167] {strides = array<i32>} : memref<64x128xf32, #tpu.memory_space<vmem>>, vector<16xf32>,
        tpu.vector_store %arg11[%swap3A_166, %swap3A_167], %mul3A_165 {strides = array<i32>} : memref<64x128xf32, #tpu.memory_space<vmem>>, vector<16xf32>,
        %get3A_169 = arith.index_cast %scan3A_133 : i32 to index
        %get3A_170 = arith.constant 80 : index
        %get3A_171 = tpu.vector_load %arg11[%get3A_169, %get3A_170] {strides = array<i32>} : memref<64x128xf32, #tpu.memory_space<vmem>>, vector<16xf32>,
        %mul3A_172 = arith.mulf %get3A_171, %gather3A : vector<16xf32>
        %swap3A_173 = arith.index_cast %scan3A_133 : i32 to index
        %swap3A_174 = arith.constant 80 : index
        %swap3A_175 = tpu.vector_load %arg11[%swap3A_173, %swap3A_174] {strides = array<i32>} : memref<64x128xf32, #tpu.memory_space<vmem>>, vector<16xf32>,
        tpu.vector_store %arg11[%swap3A_173, %swap3A_174], %mul3A_172 {strides = array<i32>} : memref<64x128xf32, #tpu.memory_space<vmem>>, vector<16xf32>,
        %get3A_176 = arith.index_cast %scan3A_133 : i32 to index
        %get3A_177 = arith.constant 96 : index
        %get3A_178 = tpu.vector_load %arg11[%get3A_176, %get3A_177] {strides = array<i32>} : memref<64x128xf32, #tpu.memory_space<vmem>>, vector<16xf32>,
        %mul3A_179 = arith.mulf %get3A_178, %gather3A : vector<16xf32>
        %swap3A_180 = arith.index_cast %scan3A_133 : i32 to index
        %swap3A_181 = arith.constant 96 : index
        %swap3A_182 = tpu.vector_load %arg11[%swap3A_180, %swap3A_181] {strides = array<i32>} : memref<64x128xf32, #tpu.memory_space<vmem>>, vector<16xf32>,
        tpu.vector_store %arg11[%swap3A_180, %swap3A_181], %mul3A_179 {strides = array<i32>} : memref<64x128xf32, #tpu.memory_space<vmem>>, vector<16xf32>,
        %get3A_183 = arith.index_cast %scan3A_133 : i32 to index
        %get3A_184 = arith.constant 112 : index
        %get3A_185 = tpu.vector_load %arg11[%get3A_183, %get3A_184] {strides = array<i32>} : memref<64x128xf32, #tpu.memory_space<vmem>>, vector<16xf32>,
        %mul3A_186 = arith.mulf %get3A_185, %gather3A : vector<16xf32>
        %swap3A_187 = arith.index_cast %scan3A_133 : i32 to index
        %swap3A_188 = arith.constant 112 : index
        %swap3A_189 = tpu.vector_load %arg11[%swap3A_187, %swap3A_188] {strides = array<i32>} : memref<64x128xf32, #tpu.memory_space<vmem>>, vector<16xf32>,
        tpu.vector_store %arg11[%swap3A_187, %swap3A_188], %mul3A_186 {strides = array<i32>} : memref<64x128xf32, #tpu.memory_space<vmem>>, vector<16xf32>,
      }
      %scan3A_120 = arith.constant 64 : i32
      %mul3A_121 = arith.constant 64 : i32
      %mul3A_122 = arith.muli %add3A_84, %mul3A_121 : i32
      %multiple_of3A_123 = tpu.assume_multiple %mul3A_122, 64 : i32
      %dma_start3A_124 = tpu.memref_slice %arg8[%multiple_of3A_123] : memref<10112xi32, #tpu.memory_space<vmem>> -> memref<64xi32, #tpu.memory_space<vmem>>
      %dma_start3A_125 = arith.constant 0 : i32
      %dma_start3A_126 = arith.constant 0 : i32
      %dma_start3A_127 = tpu.memref_slice %arg12[%dma_start3A_125, %dma_start3A_126] : memref<10240x128xf32, #tpu.memory_space<vmem_shared>> -> memref<10240x128xf32, #tpu.memory_space<vmem_shared>>
      tpu.enqueue_indirect_dma source(%arg11 : memref<64x128xf32, #tpu.memory_space<vmem>>) target(%dma_start3A_127 : memref<10240x128xf32, #tpu.memory_space<vmem_shared>>) offsets(%dma_start3A_124 : memref<64xi32, #tpu.memory_space<vmem>>) semaphore(%arg16 : memref<!tpu.dma_semaphore, #tpu.memory_space<semaphore_mem>>) {add = true}
      %lt3A_128 = arith.constant 78 : i32
      %lt3A_129 = arith.cmpi slt, %scan3A_78, %lt3A_128 : i32
      %convert_element_type3A_130 = arith.extui %lt3A_129 : i1 to i32
      %cond3A_131 = arith.constant 0 : i32
      %cond3A_132 = arith.cmpi ne, %convert_element_type3A_130, %cond3A_131 : i32
      scf.if %cond3A_132 {
        %dma_wait3A_133 = arith.constant 0 : i32
        %dma_wait3A_134 = arith.constant 0 : i32
        %dma_wait3A_135 = tpu.memref_slice %arg5[%dma_wait3A_133, %dma_wait3A_134] : memref<10000x128xf32, #tpu.memory_space<hbm>> -> memref<64x128xf32, #tpu.memory_space<hbm>>
        %dma_wait3A_136 = arith.constant 0 : i32
        %dma_wait3A_137 = arith.constant 0 : i32
        %dma_wait3A_138 = tpu.memref_slice %arg5[%dma_wait3A_136, %dma_wait3A_137] : memref<10000x128xf32, #tpu.memory_space<hbm>> -> memref<64x128xf32, #tpu.memory_space<hbm>>
        tpu.wait_dma2 semaphore(%arg16 : memref<!tpu.dma_semaphore, #tpu.memory_space<semaphore_mem>>) src(%dma_wait3A_138 : memref<64x128xf32, #tpu.memory_space<hbm>>) dst(%arg10 : memref<64x128xf32, #tpu.memory_space<vmem>>)
        %add3A_139 = arith.constant 2 : i32
        %add3A_140 = arith.addi %add3A_84, %add3A_139 : i32
        %mul3A_141 = arith.constant 64 : i32
        %mul3A_142 = arith.muli %add3A_140, %mul3A_141 : i32
        %multiple_of3A_143 = tpu.assume_multiple %mul3A_142, 64 : i32
        %dma_start3A_144 = tpu.memref_slice %arg7[%multiple_of3A_143] : memref<10112xi32, #tpu.memory_space<vmem>> -> memref<64xi32, #tpu.memory_space<vmem>>
        %dma_start3A_145 = arith.constant 0 : i32
        %dma_start3A_146 = arith.constant 0 : i32
        %dma_start3A_147 = tpu.memref_slice %arg5[%dma_start3A_145, %dma_start3A_146] : memref<10000x128xf32, #tpu.memory_space<hbm>> -> memref<10000x128xf32, #tpu.memory_space<hbm>>
        tpu.enqueue_indirect_dma source(%dma_start3A_147 : memref<10000x128xf32, #tpu.memory_space<hbm>>) target(%arg11 : memref<64x128xf32, #tpu.memory_space<vmem>>) offsets(%dma_start3A_144 : memref<64xi32, #tpu.memory_space<vmem>>) semaphore(%arg14 : memref<!tpu.dma_semaphore, #tpu.memory_space<semaphore_mem>>)
      } else {
      }
    }
    %scan3A_61 = arith.constant 79 : i32
    %dma_wait3A = arith.constant 0 : i32
    %dma_wait3A_62 = arith.constant 0 : i32
    %dma_wait3A_63 = tpu.memref_slice %arg5[%dma_wait3A, %dma_wait3A_62] : memref<10000x128xf32, #tpu.memory_space<hbm>> -> memref<64x128xf32, #tpu.memory_space<hbm>>
    %dma_wait3A_64 = arith.constant 0 : i32
    %dma_wait3A_65 = arith.constant 0 : i32
    %dma_wait3A_66 = tpu.memref_slice %arg5[%dma_wait3A_64, %dma_wait3A_65] : memref<10000x128xf32, #tpu.memory_space<hbm>> -> memref<64x128xf32, #tpu.memory_space<hbm>>
    tpu.wait_dma2 semaphore(%arg15 : memref<!tpu.dma_semaphore, #tpu.memory_space<semaphore_mem>>) src(%dma_wait3A_66 : memref<64x128xf32, #tpu.memory_space<hbm>>) dst(%arg10 : memref<64x128xf32, #tpu.memory_space<vmem>>)
    %dma_wait3A_67 = arith.constant 0 : i32
    %dma_wait3A_68 = arith.constant 0 : i32
    %dma_wait3A_69 = tpu.memref_slice %arg5[%dma_wait3A_67, %dma_wait3A_68] : memref<10000x128xf32, #tpu.memory_space<hbm>> -> memref<64x128xf32, #tpu.memory_space<hbm>>
    %dma_wait3A_70 = arith.constant 0 : i32
    %dma_wait3A_71 = arith.constant 0 : i32
    %dma_wait3A_72 = tpu.memref_slice %arg5[%dma_wait3A_70, %dma_wait3A_71] : memref<10000x128xf32, #tpu.memory_space<hbm>> -> memref<64x128xf32, #tpu.memory_space<hbm>>
    tpu.wait_dma2 semaphore(%arg16 : memref<!tpu.dma_semaphore, #tpu.memory_space<semaphore_mem>>) src(%dma_wait3A_72 : memref<64x128xf32, #tpu.memory_space<hbm>>) dst(%arg10 : memref<64x128xf32, #tpu.memory_space<vmem>>)
    %barrier3A_73 = arith.constant 0 : index
    tpu.barrier barrier_id(%barrier3A_73)
    %mul3A_74 = arith.constant 640 : i32
    %mul3A_75 = arith.muli %arg1, %mul3A_74 : i32
    %mul3A_76 = arith.constant 640 : i32
    %mul3A_77 = arith.muli %arg1, %mul3A_76 : i32
    "tpu.region"() ({
      %run_scoped3A = tpu.sem_alloc : memref<!tpu.dma_semaphore, #tpu.memory_space<semaphore_mem>>
      %dma_start3A_78 = arith.constant 0 : i32
      %dma_start3A_79 = tpu.memref_slice %arg6[%arg0, %mul3A_77, %dma_start3A_78] : memref<2x10240x128xf32, #tpu.memory_space<hbm>> -> memref<1x640x128xf32, #tpu.memory_space<hbm>>
      %dma_start3A_80 = tpu.memref_squeeze %dma_start3A_79 : memref<1x640x128xf32, #tpu.memory_space<hbm>> -> memref<640x128xf32, #tpu.memory_space<hbm>>
      %dma_start3A_81 = arith.constant 0 : i32
      %dma_start3A_82 = tpu.memref_slice %arg12[%mul3A_75, %dma_start3A_81] : memref<10240x128xf32, #tpu.memory_space<vmem_shared>> -> memref<640x128xf32, #tpu.memory_space<vmem_shared>>
      tpu.enqueue_dma source(%dma_start3A_82 : memref<640x128xf32, #tpu.memory_space<vmem_shared>>) target(%dma_start3A_80 : memref<640x128xf32, #tpu.memory_space<hbm>>) target_semaphore(%run_scoped3A : memref<!tpu.dma_semaphore, #tpu.memory_space<semaphore_mem>>)
      %dma_wait3A_83 = arith.constant 0 : i32
      %dma_wait3A_84 = tpu.memref_slice %arg6[%arg0, %mul3A_77, %dma_wait3A_83] : memref<2x10240x128xf32, #tpu.memory_space<hbm>> -> memref<1x640x128xf32, #tpu.memory_space<hbm>>
      %dma_wait3A_85 = tpu.memref_squeeze %dma_wait3A_84 : memref<1x640x128xf32, #tpu.memory_space<hbm>> -> memref<640x128xf32, #tpu.memory_space<hbm>>
      %dma_wait3A_86 = arith.constant 0 : i32
      %dma_wait3A_87 = tpu.memref_slice %arg12[%mul3A_75, %dma_wait3A_86] : memref<10240x128xf32, #tpu.memory_space<vmem_shared>> -> memref<640x128xf32, #tpu.memory_space<vmem_shared>>
      tpu.wait_dma2 semaphore(%run_scoped3A : memref<!tpu.dma_semaphore, #tpu.memory_space<semaphore_mem>>) src(%dma_wait3A_87 : memref<640x128xf32, #tpu.memory_space<vmem_shared>>) dst(%dma_wait3A_85 : memref<640x128xf32, #tpu.memory_space<hbm>>)
      tpu.yield
    }) : () -> ()
    return
  }
}

#map = affine_map<(d0, d1) -> (0, 0)>
module attributes {stable_mosaic.version = 14 : i64} {
  func.func @_deg_kernel(%arg0: i32, %arg1: i32, %arg2: memref<32x10112xi32, #tpu.memory_space<hbm>>, %arg3: memref<32x10112xf32, #tpu.memory_space<hbm>>, %arg4: memref<32x10240xf32, #tpu.memory_space<hbm>>, %arg5: memref<10112xi32, #tpu.memory_space<vmem>>, %arg6: memref<10112xf32, #tpu.memory_space<vmem>>, %arg7: memref<10240xf32, #tpu.memory_space<vmem>>) attributes {dimension_semantics = [#tpu.dimension_semantics<core_parallel>, #tpu.dimension_semantics<subcore_parallel>], iteration_bounds = array<i64: 2, 16>, scalar_prefetch = 0 : i64, scratch_operands = 3 : i64, tpu.core_type = #tpu.core_type<sc_vector_subcore>, window_params = [{transform_indices = #map}, {transform_indices = #map}, {transform_indices = #map}]} {
    %mul3A = arith.constant 2 : i32
    %mul3A_0 = arith.muli %arg1, %mul3A : i32
    %add3A = arith.addi %mul3A_0, %arg0 : i32
    "tpu.region"() ({
      %run_scoped3A = tpu.sem_alloc : memref<!tpu.dma_semaphore, #tpu.memory_space<semaphore_mem>>
      %dma_start3A = arith.constant 0 : i32
      %dma_start3A_13 = tpu.memref_slice %arg2[%add3A, %dma_start3A] : memref<32x10112xi32, #tpu.memory_space<hbm>> -> memref<1x10112xi32, #tpu.memory_space<hbm>>
      %dma_start3A_14 = tpu.memref_squeeze %dma_start3A_13 : memref<1x10112xi32, #tpu.memory_space<hbm>> -> memref<10112xi32, #tpu.memory_space<hbm>>
      %dma_start3A_15 = arith.constant 0 : i32
      %dma_start3A_16 = tpu.memref_slice %arg2[%add3A, %dma_start3A_15] : memref<32x10112xi32, #tpu.memory_space<hbm>> -> memref<1x10112xi32, #tpu.memory_space<hbm>>
      %dma_start3A_17 = tpu.memref_squeeze %dma_start3A_16 : memref<1x10112xi32, #tpu.memory_space<hbm>> -> memref<10112xi32, #tpu.memory_space<hbm>>
      tpu.enqueue_dma source(%dma_start3A_17 : memref<10112xi32, #tpu.memory_space<hbm>>) target(%arg5 : memref<10112xi32, #tpu.memory_space<vmem>>) target_semaphore(%run_scoped3A : memref<!tpu.dma_semaphore, #tpu.memory_space<semaphore_mem>>)
      %dma_wait3A = arith.constant 0 : i32
      %dma_wait3A_18 = tpu.memref_slice %arg2[%add3A, %dma_wait3A] : memref<32x10112xi32, #tpu.memory_space<hbm>> -> memref<1x10112xi32, #tpu.memory_space<hbm>>
      %dma_wait3A_19 = tpu.memref_squeeze %dma_wait3A_18 : memref<1x10112xi32, #tpu.memory_space<hbm>> -> memref<10112xi32, #tpu.memory_space<hbm>>
      %dma_wait3A_20 = arith.constant 0 : i32
      %dma_wait3A_21 = tpu.memref_slice %arg2[%add3A, %dma_wait3A_20] : memref<32x10112xi32, #tpu.memory_space<hbm>> -> memref<1x10112xi32, #tpu.memory_space<hbm>>
      %dma_wait3A_22 = tpu.memref_squeeze %dma_wait3A_21 : memref<1x10112xi32, #tpu.memory_space<hbm>> -> memref<10112xi32, #tpu.memory_space<hbm>>
      tpu.wait_dma2 semaphore(%run_scoped3A : memref<!tpu.dma_semaphore, #tpu.memory_space<semaphore_mem>>) src(%dma_wait3A_22 : memref<10112xi32, #tpu.memory_space<hbm>>) dst(%arg5 : memref<10112xi32, #tpu.memory_space<vmem>>)
      tpu.yield
    }) : () -> ()
    "tpu.region"() ({
      %run_scoped3A = tpu.sem_alloc : memref<!tpu.dma_semaphore, #tpu.memory_space<semaphore_mem>>
      %dma_start3A = arith.constant 0 : i32
      %dma_start3A_13 = tpu.memref_slice %arg3[%add3A, %dma_start3A] : memref<32x10112xf32, #tpu.memory_space<hbm>> -> memref<1x10112xf32, #tpu.memory_space<hbm>>
      %dma_start3A_14 = tpu.memref_squeeze %dma_start3A_13 : memref<1x10112xf32, #tpu.memory_space<hbm>> -> memref<10112xf32, #tpu.memory_space<hbm>>
      %dma_start3A_15 = arith.constant 0 : i32
      %dma_start3A_16 = tpu.memref_slice %arg3[%add3A, %dma_start3A_15] : memref<32x10112xf32, #tpu.memory_space<hbm>> -> memref<1x10112xf32, #tpu.memory_space<hbm>>
      %dma_start3A_17 = tpu.memref_squeeze %dma_start3A_16 : memref<1x10112xf32, #tpu.memory_space<hbm>> -> memref<10112xf32, #tpu.memory_space<hbm>>
      tpu.enqueue_dma source(%dma_start3A_17 : memref<10112xf32, #tpu.memory_space<hbm>>) target(%arg6 : memref<10112xf32, #tpu.memory_space<vmem>>) target_semaphore(%run_scoped3A : memref<!tpu.dma_semaphore, #tpu.memory_space<semaphore_mem>>)
      %dma_wait3A = arith.constant 0 : i32
      %dma_wait3A_18 = tpu.memref_slice %arg3[%add3A, %dma_wait3A] : memref<32x10112xf32, #tpu.memory_space<hbm>> -> memref<1x10112xf32, #tpu.memory_space<hbm>>
      %dma_wait3A_19 = tpu.memref_squeeze %dma_wait3A_18 : memref<1x10112xf32, #tpu.memory_space<hbm>> -> memref<10112xf32, #tpu.memory_space<hbm>>
      %dma_wait3A_20 = arith.constant 0 : i32
      %dma_wait3A_21 = tpu.memref_slice %arg3[%add3A, %dma_wait3A_20] : memref<32x10112xf32, #tpu.memory_space<hbm>> -> memref<1x10112xf32, #tpu.memory_space<hbm>>
      %dma_wait3A_22 = tpu.memref_squeeze %dma_wait3A_21 : memref<1x10112xf32, #tpu.memory_space<hbm>> -> memref<10112xf32, #tpu.memory_space<hbm>>
      tpu.wait_dma2 semaphore(%run_scoped3A : memref<!tpu.dma_semaphore, #tpu.memory_space<semaphore_mem>>) src(%dma_wait3A_22 : memref<10112xf32, #tpu.memory_space<hbm>>) dst(%arg6 : memref<10112xf32, #tpu.memory_space<vmem>>)
      tpu.yield
    }) : () -> ()
    %broadcast_in_dim3A = arith.constant 0.000000e+00 : f32
    %broadcast_in_dim3A_1 = vector.broadcast %broadcast_in_dim3A : f32 to vector<16xf32>
    %scan3A = arith.constant 0 : i32
    %scan3A_2 = arith.constant 0 : i32
    %scan3A_3 = arith.constant 640 : i32
    %scan3A_4 = arith.addi %scan3A_2, %scan3A_3 : i32
    %scan3A_5 = arith.constant 1 : i32
    scf.for %scan3A_13 = %scan3A_2 to %scan3A_4 step %scan3A_5  : i32 {
      %mul3A_14 = arith.constant 16 : i32
      %mul3A_15 = arith.muli %scan3A_13, %mul3A_14 : i32
      %multiple_of3A = tpu.assume_multiple %mul3A_15, 16 : i32
      %swap3A = arith.index_cast %multiple_of3A : i32 to index
      %swap3A_16 = tpu.vector_load %arg7[%swap3A] {strides = array<i32>} : memref<10240xf32, #tpu.memory_space<vmem>>, vector<16xf32>,
      tpu.vector_store %arg7[%swap3A], %broadcast_in_dim3A_1 {strides = array<i32>} : memref<10240xf32, #tpu.memory_space<vmem>>, vector<16xf32>,
    }
    %scan3A_6 = arith.constant 640 : i32
    %scan3A_7 = arith.constant 0 : i32
    %scan3A_8 = arith.constant 0 : i32
    %scan3A_9 = arith.constant 632 : i32
    %scan3A_10 = arith.addi %scan3A_8, %scan3A_9 : i32
    %scan3A_11 = arith.constant 1 : i32
    scf.for %scan3A_13 = %scan3A_8 to %scan3A_10 step %scan3A_11  : i32 {
      %mul3A_14 = arith.constant 16 : i32
      %mul3A_15 = arith.muli %scan3A_13, %mul3A_14 : i32
      %multiple_of3A = tpu.assume_multiple %mul3A_15, 16 : i32
      %get3A = arith.index_cast %multiple_of3A : i32 to index
      %get3A_16 = tpu.vector_load %arg5[%get3A] {strides = array<i32>} : memref<10112xi32, #tpu.memory_space<vmem>>, vector<16xi32>,
      %get3A_17 = arith.index_cast %multiple_of3A : i32 to index
      %get3A_18 = tpu.vector_load %arg6[%get3A_17] {strides = array<i32>} : memref<10112xf32, #tpu.memory_space<vmem>>, vector<16xf32>,
      tpu.vector_store_idx %arg7[%get3A_16], %get3A_18 {add = true} : memref<10240xf32, #tpu.memory_space<vmem>>[vector<16xi32>], vector<16xf32>,
    }
    %scan3A_12 = arith.constant 632 : i32
    "tpu.region"() ({
      %run_scoped3A = tpu.sem_alloc : memref<!tpu.dma_semaphore, #tpu.memory_space<semaphore_mem>>
      %dma_start3A = arith.constant 0 : i32
      %dma_start3A_13 = tpu.memref_slice %arg4[%add3A, %dma_start3A] : memref<32x10240xf32, #tpu.memory_space<hbm>> -> memref<1x10240xf32, #tpu.memory_space<hbm>>
      %dma_start3A_14 = tpu.memref_squeeze %dma_start3A_13 : memref<1x10240xf32, #tpu.memory_space<hbm>> -> memref<10240xf32, #tpu.memory_space<hbm>>
      %dma_start3A_15 = arith.constant 0 : i32
      %dma_start3A_16 = tpu.memref_slice %arg4[%add3A, %dma_start3A_15] : memref<32x10240xf32, #tpu.memory_space<hbm>> -> memref<1x10240xf32, #tpu.memory_space<hbm>>
      %dma_start3A_17 = tpu.memref_squeeze %dma_start3A_16 : memref<1x10240xf32, #tpu.memory_space<hbm>> -> memref<10240xf32, #tpu.memory_space<hbm>>
      tpu.enqueue_dma source(%arg7 : memref<10240xf32, #tpu.memory_space<vmem>>) target(%dma_start3A_17 : memref<10240xf32, #tpu.memory_space<hbm>>) target_semaphore(%run_scoped3A : memref<!tpu.dma_semaphore, #tpu.memory_space<semaphore_mem>>)
      %dma_wait3A = arith.constant 0 : i32
      %dma_wait3A_18 = tpu.memref_slice %arg4[%add3A, %dma_wait3A] : memref<32x10240xf32, #tpu.memory_space<hbm>> -> memref<1x10240xf32, #tpu.memory_space<hbm>>
      %dma_wait3A_19 = tpu.memref_squeeze %dma_wait3A_18 : memref<1x10240xf32, #tpu.memory_space<hbm>> -> memref<10240xf32, #tpu.memory_space<hbm>>
      %dma_wait3A_20 = arith.constant 0 : i32
      %dma_wait3A_21 = tpu.memref_slice %arg4[%add3A, %dma_wait3A_20] : memref<32x10240xf32, #tpu.memory_space<hbm>> -> memref<1x10240xf32, #tpu.memory_space<hbm>>
      %dma_wait3A_22 = tpu.memref_squeeze %dma_wait3A_21 : memref<1x10240xf32, #tpu.memory_space<hbm>> -> memref<10240xf32, #tpu.memory_space<hbm>>
      tpu.wait_dma2 semaphore(%run_scoped3A : memref<!tpu.dma_semaphore, #tpu.memory_space<semaphore_mem>>) src(%arg7 : memref<10240xf32, #tpu.memory_space<vmem>>) dst(%dma_wait3A_22 : memref<10240xf32, #tpu.memory_space<hbm>>)
      tpu.yield
    }) : () -> ()
    return
  }
}

module attributes {stable_mosaic.version = 14 : i64} {
  func.func @_prep_body(%arg0: memref<10000x128xf32, #tpu.memory_space<vmem>>, %arg1: memref<128x128xf32, #tpu.memory_space<vmem>>, %arg2: memref<32x10240xf32, #tpu.memory_space<vmem>>, %arg3: memref<10000x128xf32, #tpu.memory_space<vmem>>, %arg4: memref<10000xf32, #tpu.memory_space<vmem>>) attributes {dimension_semantics = [], scalar_prefetch = 0 : i64, scratch_operands = 0 : i64, tpu.core_type = #tpu.core_type<tc>} {
    %get3A = arith.constant 0 : index
    %get3A_0 = arith.constant 0 : index
    %get3A_1 = vector.load %arg2[%get3A, %get3A_0] : memref<32x10240xf32, #tpu.memory_space<vmem>>, vector<32x10240xf32>
    %reduce_sum3A = arith.constant dense<0.000000e+00> : vector<10240xf32>
    %reduce_sum3A_2 = vector.multi_reduction <add>, %get3A_1, %reduce_sum3A [0] : vector<32x10240xf32> to vector<10240xf32>
    %slice3A = vector.extract_strided_slice %reduce_sum3A_2 {offsets = [0], sizes = [10000], strides = [1]} : vector<10240xf32> to vector<10000xf32>
    %add3A = arith.constant 1.000000e+00 : f32
    %add3A_3 = vector.broadcast %add3A : f32 to vector<10000xf32>
    %add3A_4 = arith.addf %slice3A, %add3A_3 : vector<10000xf32>
    %gt3A = arith.constant 0.000000e+00 : f32
    %gt3A_5 = vector.broadcast %gt3A : f32 to vector<10000xf32>
    %gt3A_6 = arith.cmpf ogt, %add3A_4, %gt3A_5 : vector<10000xf32>
    %rsqrt3A = math.rsqrt %add3A_4 : vector<10000xf32>
    %jit3A = arith.constant 0.000000e+00 : f32
    %broadcast_in_dim3A = vector.broadcast %jit3A : f32 to vector<10000xf32>
    %select_n3A = arith.select %gt3A_6, %rsqrt3A, %broadcast_in_dim3A : vector<10000xi1>, vector<10000xf32>
    %get3A_7 = arith.constant 0 : index
    %get3A_8 = arith.constant 0 : index
    %get3A_9 = vector.load %arg0[%get3A_7, %get3A_8] : memref<10000x128xf32, #tpu.memory_space<vmem>>, vector<10000x128xf32>
    %get3A_10 = arith.constant 0 : index
    %get3A_11 = arith.constant 0 : index
    %get3A_12 = vector.load %arg1[%get3A_10, %get3A_11] : memref<128x128xf32, #tpu.memory_space<vmem>>, vector<128x128xf32>
    %dot_general3A = arith.constant dense<0.000000e+00> : vector<10000x128xf32>
    %dot_general3A_13 = tpu.matmul %get3A_9, %get3A_12, %dot_general3A {dimension_numbers = #tpu.dot_dimension_numbers<[1], [0], [0], [1], [0, 0, 1, 1], [], []>, transpose_lhs_hint = false} : vector<10000x128xf32>, vector<128x128xf32>, vector<10000x128xf32> -> vector<10000x128xf32>
    %broadcast_in_dim3A_14 = vector.shape_cast %select_n3A : vector<10000xf32> to vector<10000x1xf32>
    %mul3A = vector.broadcast %broadcast_in_dim3A_14 : vector<10000x1xf32> to vector<10000x128xf32>
    %mul3A_15 = arith.mulf %dot_general3A_13, %mul3A : vector<10000x128xf32>
    %swap3A = arith.constant 0 : index
    %swap3A_16 = arith.constant 0 : index
    %swap3A_17 = vector.load %arg3[%swap3A, %swap3A_16] : memref<10000x128xf32, #tpu.memory_space<vmem>>, vector<10000x128xf32>
    tpu.vector_store %arg3[%swap3A, %swap3A_16], %mul3A_15 {strides = array<i32>} : memref<10000x128xf32, #tpu.memory_space<vmem>>, vector<10000x128xf32>,
    %swap3A_18 = arith.constant 0 : index
    %swap3A_19 = vector.load %arg4[%swap3A_18] : memref<10000xf32, #tpu.memory_space<vmem>>, vector<10000xf32>
    tpu.vector_store %arg4[%swap3A_18], %select_n3A {strides = array<i32>} : memref<10000xf32, #tpu.memory_space<vmem>>, vector<10000xf32>,
    return
  }
}

module attributes {stable_mosaic.version = 14 : i64} {
  func.func @_post_body(%arg0: memref<2x10240x128xf32, #tpu.memory_space<vmem>>, %arg1: memref<10000x128xf32, #tpu.memory_space<vmem>>, %arg2: memref<10000xf32, #tpu.memory_space<vmem>>, %arg3: memref<128xf32, #tpu.memory_space<vmem>>, %arg4: memref<10000xi32, #tpu.memory_space<vmem>>, %arg5: memref<128xf32, #tpu.memory_space<vmem>>, %arg6: memref<128xf32, #tpu.memory_space<vmem>>, %arg7: memref<128xf32, #tpu.memory_space<vmem>>, %arg8: memref<10000x128xf32, #tpu.memory_space<vmem>>) attributes {dimension_semantics = [], scalar_prefetch = 0 : i64, scratch_operands = 0 : i64, tpu.core_type = #tpu.core_type<tc>} {
    %get3A = arith.constant 0 : index
    %get3A_0 = arith.constant 0 : index
    %get3A_1 = arith.constant 0 : index
    %get3A_2 = vector.load %arg0[%get3A, %get3A_0, %get3A_1] : memref<2x10240x128xf32, #tpu.memory_space<vmem>>, vector<1x10000x128xf32>
    %get3A_3 = vector.shape_cast %get3A_2 : vector<1x10000x128xf32> to vector<10000x128xf32>
    %get3A_4 = arith.constant 1 : index
    %get3A_5 = arith.constant 0 : index
    %get3A_6 = arith.constant 0 : index
    %get3A_7 = vector.load %arg0[%get3A_4, %get3A_5, %get3A_6] : memref<2x10240x128xf32, #tpu.memory_space<vmem>>, vector<1x10000x128xf32>
    %get3A_8 = vector.shape_cast %get3A_7 : vector<1x10000x128xf32> to vector<10000x128xf32>
    %add3A = arith.addf %get3A_3, %get3A_8 : vector<10000x128xf32>
    %get3A_9 = arith.constant 0 : index
    %get3A_10 = vector.load %arg2[%get3A_9] : memref<10000xf32, #tpu.memory_space<vmem>>, vector<10000xf32>
    %broadcast_in_dim3A = vector.shape_cast %get3A_10 : vector<10000xf32> to vector<10000x1xf32>
    %get3A_11 = arith.constant 0 : index
    %get3A_12 = arith.constant 0 : index
    %get3A_13 = vector.load %arg1[%get3A_11, %get3A_12] : memref<10000x128xf32, #tpu.memory_space<vmem>>, vector<10000x128xf32>
    %add3A_14 = arith.addf %add3A, %get3A_13 : vector<10000x128xf32>
    %mul3A = vector.broadcast %broadcast_in_dim3A : vector<10000x1xf32> to vector<10000x128xf32>
    %mul3A_15 = arith.mulf %mul3A, %add3A_14 : vector<10000x128xf32>
    %get3A_16 = arith.constant 0 : index
    %get3A_17 = vector.load %arg3[%get3A_16] : memref<128xf32, #tpu.memory_space<vmem>>, vector<128xf32>
    %broadcast_in_dim3A_18 = vector.shape_cast %get3A_17 : vector<128xf32> to vector<1x128xf32>
    %add3A_19 = vector.broadcast %broadcast_in_dim3A_18 : vector<1x128xf32> to vector<10000x128xf32>
    %add3A_20 = arith.addf %mul3A_15, %add3A_19 : vector<10000x128xf32>
    %get3A_21 = arith.constant 0 : index
    %get3A_22 = vector.load %arg4[%get3A_21] : memref<10000xi32, #tpu.memory_space<vmem>>, vector<10000xi32>
    %iota3A = tpu.iota {dimensions = array<i32: 1>} : vector<1x64xi32>
    %iota3A_23 = vector.shape_cast %iota3A : vector<1x64xi32> to vector<64xi32>
    %broadcast_in_dim3A_24 = vector.shape_cast %get3A_22 : vector<10000xi32> to vector<10000x1xi32>
    %broadcast_in_dim3A_25 = vector.shape_cast %iota3A_23 : vector<64xi32> to vector<1x64xi32>
    %eq3A = vector.broadcast %broadcast_in_dim3A_24 : vector<10000x1xi32> to vector<10000x64xi32>
    %eq3A_26 = vector.broadcast %broadcast_in_dim3A_25 : vector<1x64xi32> to vector<10000x64xi32>
    %eq3A_27 = arith.cmpi eq, %eq3A, %eq3A_26 : vector<10000x64xi32>
    %convert_element_type3A = arith.extui %eq3A_27 : vector<10000x64xi1> to vector<10000x64xi32>
    %convert_element_type3A_28 = arith.sitofp %convert_element_type3A : vector<10000x64xi32> to vector<10000x64xf32>
    %reduce_sum3A = arith.constant dense<0.000000e+00> : vector<64xf32>
    %reduce_sum3A_29 = vector.multi_reduction <add>, %convert_element_type3A_28, %reduce_sum3A [0] : vector<10000x64xf32> to vector<64xf32>
    %max3A = arith.constant 1.000000e+00 : f32
    %max3A_30 = vector.broadcast %max3A : f32 to vector<64xf32>
    %max3A_31 = arith.maximumf %reduce_sum3A_29, %max3A_30 : vector<64xf32>
    %dot_general3A = arith.constant dense<0.000000e+00> : vector<64x128xf32>
    %dot_general3A_32 = tpu.matmul %convert_element_type3A_28, %add3A_20, %dot_general3A {dimension_numbers = #tpu.dot_dimension_numbers<[0], [0], [1], [1], [0, 1, 1, 1], [], []>, transpose_lhs_hint = false} : vector<10000x64xf32>, vector<10000x128xf32>, vector<64x128xf32> -> vector<64x128xf32>
    %mul3A_33 = arith.mulf %add3A_20, %add3A_20 : vector<10000x128xf32>
    %dot_general3A_34 = arith.constant dense<0.000000e+00> : vector<64x128xf32>
    %dot_general3A_35 = tpu.matmul %convert_element_type3A_28, %mul3A_33, %dot_general3A_34 {dimension_numbers = #tpu.dot_dimension_numbers<[0], [0], [1], [1], [0, 1, 1, 1], [], []>, transpose_lhs_hint = false} : vector<10000x64xf32>, vector<10000x128xf32>, vector<64x128xf32> -> vector<64x128xf32>
    %broadcast_in_dim3A_36 = vector.shape_cast %max3A_31 : vector<64xf32> to vector<64x1xf32>
    %div3A = vector.broadcast %broadcast_in_dim3A_36 : vector<64x1xf32> to vector<64x128xf32>
    %div3A_37 = arith.divf %dot_general3A_32, %div3A : vector<64x128xf32>
    %broadcast_in_dim3A_38 = vector.shape_cast %max3A_31 : vector<64xf32> to vector<64x1xf32>
    %div3A_39 = vector.broadcast %broadcast_in_dim3A_38 : vector<64x1xf32> to vector<64x128xf32>
    %div3A_40 = arith.divf %dot_general3A_35, %div3A_39 : vector<64x128xf32>
    %get3A_41 = arith.constant 0 : index
    %get3A_42 = vector.load %arg7[%get3A_41] : memref<128xf32, #tpu.memory_space<vmem>>, vector<128xf32>
    %mul3A_43 = arith.mulf %get3A_42, %get3A_42 : vector<128xf32>
    %mul3A_44 = arith.constant 2.000000e+00 : f32
    %mul3A_45 = vector.broadcast %mul3A_44 : f32 to vector<128xf32>
    %mul3A_46 = arith.mulf %mul3A_45, %get3A_42 : vector<128xf32>
    %sub3A = arith.subf %mul3A_43, %mul3A_46 : vector<128xf32>
    %mul3A_47 = arith.mulf %div3A_37, %div3A_37 : vector<64x128xf32>
    %broadcast_in_dim3A_48 = vector.shape_cast %sub3A : vector<128xf32> to vector<1x128xf32>
    %mul3A_49 = vector.broadcast %broadcast_in_dim3A_48 : vector<1x128xf32> to vector<64x128xf32>
    %mul3A_50 = arith.mulf %mul3A_49, %mul3A_47 : vector<64x128xf32>
    %add3A_51 = arith.addf %div3A_40, %mul3A_50 : vector<64x128xf32>
    %add3A_52 = arith.constant 9.99999974E-6 : f32
    %add3A_53 = vector.broadcast %add3A_52 : f32 to vector<64x128xf32>
    %add3A_54 = arith.addf %add3A_51, %add3A_53 : vector<64x128xf32>
    %rsqrt3A = math.rsqrt %add3A_54 : vector<64x128xf32>
    %dot_general3A_55 = arith.constant dense<0.000000e+00> : vector<10000x128xf32>
    %dot_general3A_56 = tpu.matmul %convert_element_type3A_28, %div3A_37, %dot_general3A_55 {dimension_numbers = #tpu.dot_dimension_numbers<[1], [0], [0], [1], [0, 0, 1, 1], [], []>, transpose_lhs_hint = false} : vector<10000x64xf32>, vector<64x128xf32>, vector<10000x128xf32> -> vector<10000x128xf32>
    %dot_general3A_57 = arith.constant dense<0.000000e+00> : vector<10000x128xf32>
    %dot_general3A_58 = tpu.matmul %convert_element_type3A_28, %rsqrt3A, %dot_general3A_57 {dimension_numbers = #tpu.dot_dimension_numbers<[1], [0], [0], [1], [0, 0, 1, 1], [], []>, transpose_lhs_hint = false} : vector<10000x64xf32>, vector<64x128xf32>, vector<10000x128xf32> -> vector<10000x128xf32>
    %broadcast_in_dim3A_59 = vector.shape_cast %get3A_42 : vector<128xf32> to vector<1x128xf32>
    %mul3A_60 = vector.broadcast %broadcast_in_dim3A_59 : vector<1x128xf32> to vector<10000x128xf32>
    %mul3A_61 = arith.mulf %dot_general3A_56, %mul3A_60 : vector<10000x128xf32>
    %sub3A_62 = arith.subf %add3A_20, %mul3A_61 : vector<10000x128xf32>
    %get3A_63 = arith.constant 0 : index
    %get3A_64 = vector.load %arg5[%get3A_63] : memref<128xf32, #tpu.memory_space<vmem>>, vector<128xf32>
    %broadcast_in_dim3A_65 = vector.shape_cast %get3A_64 : vector<128xf32> to vector<1x128xf32>
    %mul3A_66 = vector.broadcast %broadcast_in_dim3A_65 : vector<1x128xf32> to vector<10000x128xf32>
    %mul3A_67 = arith.mulf %mul3A_66, %sub3A_62 : vector<10000x128xf32>
    %mul3A_68 = arith.mulf %mul3A_67, %dot_general3A_58 : vector<10000x128xf32>
    %get3A_69 = arith.constant 0 : index
    %get3A_70 = vector.load %arg6[%get3A_69] : memref<128xf32, #tpu.memory_space<vmem>>, vector<128xf32>
    %broadcast_in_dim3A_71 = vector.shape_cast %get3A_70 : vector<128xf32> to vector<1x128xf32>
    %add3A_72 = vector.broadcast %broadcast_in_dim3A_71 : vector<1x128xf32> to vector<10000x128xf32>
    %add3A_73 = arith.addf %mul3A_68, %add3A_72 : vector<10000x128xf32>
    %gt3A = arith.constant 0.000000e+00 : f32
    %gt3A_74 = vector.broadcast %gt3A : f32 to vector<10000x128xf32>
    %gt3A_75 = arith.cmpf ogt, %add3A_73, %gt3A_74 : vector<10000x128xf32>
    %mul3A_76 = arith.constant 1.000000e-01 : f32
    %mul3A_77 = vector.broadcast %mul3A_76 : f32 to vector<10000x128xf32>
    %mul3A_78 = arith.mulf %mul3A_77, %add3A_73 : vector<10000x128xf32>
    %select_n3A = arith.select %gt3A_75, %add3A_73, %mul3A_78 : vector<10000x128xi1>, vector<10000x128xf32>
    %swap3A = arith.constant 0 : index
    %swap3A_79 = arith.constant 0 : index
    %swap3A_80 = vector.load %arg8[%swap3A, %swap3A_79] : memref<10000x128xf32, #tpu.memory_space<vmem>>, vector<10000x128xf32>
    tpu.vector_store %arg8[%swap3A, %swap3A_79], %select_n3A {strides = array<i32>} : memref<10000x128xf32, #tpu.memory_space<vmem>>, vector<10000x128xf32>,
    return
  }
}

</mosaic_0001>

<sc_bundles>
// kernel: kernel.6.cloned.1.call-start
scs
__scs_entry_jumppad:
0x0: {  	(pc) =	sbr.rel $0x88, $3  }
0x1: {  	(tag) =	ssettag $0x0;
	lr =	simm.s32 $0x1  }
0x2: {  	[smem:$0x3F98] =	sst lr;
	_ =	strace $0xD0000000  }
0x3: {  	_ = 	snop  }
0x4: {  	_ = 	snop  }
0x5: {  	_ = 	snop  }
0x6: {  	_ = 	snop  }
0x7: {  	_ = 	snop  }
__scs_overlays_trampoline_lowered:
0x8: {  	[smem:$0x3FA7] =	sst s0  }
0x9: {  	[smem:$0x3FA8] =	sst s1  }
0xa: {  	[smem:$0x3FA9] =	sst s2  }
0xb: {  	[smem:$0x3FAA] =	sst s3  }
0xc: {  	[smem:$0x3FAB] =	sst s4  }
0xd: {  	[smem:$0x3FAC] =	sst s5  }
0xe: {  	[smem:$0x3FAD] =	sst s6  }
0xf: {  	[smem:$0x3FAE] =	sst s7  }
0x10: {  	[smem:$0x3FAF] =	sst s8  }
0x11: {  	[smem:$0x3FB0] =	sst s9;
	s0 =	simm.s32 @!p0 $0x0  }
0x12: {  	s1 =	sld [smem:$0x3F96];
	s0 =	simm.s32 @p0 $0x1  }
0x13: {  	[smem:$0x3FB1] =	sst s0;
	s0 =	simm.s32 @!p1 $0x0  }
0x14: {  	s2 =	sld [smem:$0x3F95];
	s0 =	simm.s32 @p1 $0x1  }
0x15: {  	[smem:$0x3FB2] =	sst s0;
	s0 =	simm.s32 @!p2 $0x0  }
0x16: {  	s3 =	sld [smem:$0x3FDB];
	s0 =	simm.s32 @p2 $0x1  }
0x17: {  	s4 =	simm.s32 $0x1BF5;
	[smem:$0x3FB4] =	sst s0  }
0x18: {  	s0 =	sld [smem:$0x3F97];
	_ =	swait.ge [sflag:s4], $0x0  }
0x19: {  	s7 =	sld [smem:$0x3F98]  }
0x1a: {  	s8 =	sadd.s32 $0xFFFFE003, lr  }
0x1b: {  	s9 =	sadd.s32 $0xFFFFFEF7, lr;
	s5 =	simm.s32 $0xFFFFFFFF;
	p2 =	slt.u32 s8, $0xFFFFF086  }
0x1c: {  	p1 =	slt.u32 s9, $0xF7A;
	s5 =	simm.s32 @!p2 $0x0  }
0x1d: {  	s5 =	simm.s32 @p1 $0x1;
	p0 =	seq.s32 s7, s2  }
0x1e: {  	s7 =	smul.u32 @!p0 $0xF7A, s2;
	p2 =	seq.s32 @!p0 s5, $0x0  }
0x1f: {  	s9 =	smul.u32 $0xF7A, s1;
	s8 =	simm.s32 @!p0 $0x1BF5;
	p2 =	por !p2, p0  }
0x20: {  	[sflag:s8] =	ssyncset.s32 @!p0 $0xFFFFF086;
	s6 =	sadd.s32 @!p0 s3, s7;
	s7 =	simm.s32 @!p0 $0x108  }
0x21: {  	s3 =	sadd.s32 s3, s9;
	s6 =	sadd.s32 @!p0 $0x88, s6;
	s7 =	simm.s32 @p2 $0x1082  }
0x22: {  	[simem:s7], [sflag:s8] =	dma.local @!p0 [hbm:s6], $0xF7A  }
0x23: {  	s9 =	sor.u32 $0xD0000000, s2;
	s6 =	simm.s32 $0x108;
	_ =	swait.ge @!p0 [sflag:s8], $0x0  }
0x24: {  	s3 =	sadd.s32 $0x88, s3;
	s6 =	simm.s32 @!p1 $0x1082;
	[sflag:s4] =	ssyncset.s32 $0xFFFFF086  }
0x25: {  	[simem:s6], [sflag:s4] =	dma.local [hbm:s3], $0xF7A  }
0x26: {  	[smem:$0x3F98] =	sst s1;
	(tag) =	ssettag s2;
	_ =	strace s9  }
0x27: {  	s1 =	sld [smem:$0x3FA8]  }
0x28: {  	s2 =	sld [smem:$0x3FA9]  }
0x29: {  	s4 =	sld [smem:$0x3FAB]  }
0x2a: {  	p0 =	seq.s32 s5, $0x0;
	s5 =	sld [smem:$0x3FAC]  }
0x2b: {  	s6 =	sld [smem:$0x3FAD]  }
0x2c: {  	s7 =	sld [smem:$0x3FAE]  }
0x2d: {  	s3 =	simm.s32 $0x108;
	s8 =	sld [smem:$0x3FAF]  }
0x2e: {  	s3 =	simm.s32 @!p0 $0x1082;
	s9 =	sld [smem:$0x3FB0]  }
0x2f: {  	lr =	sadd.s32 s0, s3;
	s0 =	sld [smem:$0x3FA7]  }
0x30: {  	s3 =	sld [smem:$0x3FAA]  }
0x31: {  	[smem:$0x3FB3] =	sst s10  }
0x32: {  	s10 =	sld [smem:$0x3FB1];
	_ =	sdelay $0x3  }
0x33: {  	p0 =	seq.s32 s10, $0x1;
	s10 =	sld [smem:$0x3FB3];
	_ =	sdelay $0x3  }
0x34: {  	[smem:$0x3FB3] =	sst s10  }
0x35: {  	s10 =	sld [smem:$0x3FB2];
	_ =	sdelay $0x3  }
0x36: {  	p1 =	seq.s32 s10, $0x1;
	s10 =	sld [smem:$0x3FB3];
	_ =	sdelay $0x3  }
0x37: {  	[smem:$0x3FB3] =	sst s10  }
0x38: {  	s10 =	sld [smem:$0x3FB4]  }
0x39: {  	_ = 	snop;
	(pc) =	sbr.ind lr, $3  }
0x3a: {  	_ = 	snop  }
0x3b: {  	_ = 	snop  }
0x3c: {  	p2 =	seq.s32 s10, $0x1;
	s10 =	sld [smem:$0x3FB3]  }
0x3d: {  	_ =	shalt  }
0x3e: {  	_ =	shalt  }
0x3f: {  	_ =	shalt  }
0x40: {  	_ =	shalt  }
0x41: {  	_ =	shalt  }
0x42: {  	_ =	shalt  }
0x43: {  	_ =	shalt  }
0x44: {  	_ =	shalt  }
0x45: {  	_ =	shalt  }
0x46: {  	_ =	shalt  }
0x47: {  	_ =	shalt  }
0x48: {  	_ =	shalt  }
0x49: {  	_ =	shalt  }
0x4a: {  	_ =	shalt  }
0x4b: {  	_ =	shalt  }
0x4c: {  	_ =	shalt  }
0x4d: {  	_ =	shalt  }
0x4e: {  	_ =	shalt  }
0x4f: {  	_ =	shalt  }
0x50: {  	_ =	shalt  }
0x51: {  	_ =	shalt  }
0x52: {  	_ =	shalt  }
0x53: {  	_ =	shalt  }
0x54: {  	_ =	shalt  }
0x55: {  	_ =	shalt  }
0x56: {  	_ =	shalt  }
0x57: {  	_ =	shalt  }
0x58: {  	_ =	shalt  }
0x59: {  	_ =	shalt  }
0x5a: {  	_ =	shalt  }
0x5b: {  	_ =	shalt  }
0x5c: {  	_ =	shalt  }
0x5d: {  	_ =	shalt  }
0x5e: {  	_ =	shalt  }
0x5f: {  	_ =	shalt  }
0x60: {  	_ =	shalt  }
0x61: {  	_ =	shalt  }
0x62: {  	_ =	shalt  }
0x63: {  	_ =	shalt  }
0x64: {  	_ =	shalt  }
0x65: {  	_ =	shalt  }
0x66: {  	_ =	shalt  }
0x67: {  	_ =	shalt  }
0x68: {  	_ =	shalt  }
0x69: {  	_ =	shalt  }
0x6a: {  	_ =	shalt  }
0x6b: {  	_ =	shalt  }
0x6c: {  	_ =	shalt  }
0x6d: {  	_ =	shalt  }
0x6e: {  	_ =	shalt  }
0x6f: {  	_ =	shalt  }
0x70: {  	_ =	shalt  }
0x71: {  	_ =	shalt  }
0x72: {  	_ =	shalt  }
0x73: {  	_ =	shalt  }
0x74: {  	_ =	shalt  }
0x75: {  	_ =	shalt  }
0x76: {  	_ =	shalt  }
0x77: {  	_ =	shalt  }
0x78: {  	_ =	shalt  }
0x79: {  	_ =	shalt  }
0x7a: {  	_ =	shalt  }
0x7b: {  	_ =	shalt  }
0x7c: {  	_ =	shalt  }
0x7d: {  	_ =	shalt  }
0x7e: {  	_ =	shalt  }
0x7f: {  	_ =	shalt  }
0x80: {  	_ =	shalt  }
0x81: {  	_ =	shalt  }
0x82: {  	_ =	shalt  }
0x83: {  	_ =	shalt  }
0x84: {  	_ =	shalt  }
0x85: {  	_ =	shalt  }
0x86: {  	_ =	shalt  }
0x87: {  	_ =	shalt  }
.Lfunc_end0:
.L_simem_size_0:
called_computation_lowered:
.L_overlay_start_0:
0x88: {  	s2 =	sld [smem:$0x3FD9]  }
0x89: {  	s3 =	sld [smem:$0x3FFE];
	_ =	sdelay $0x1  }
0x8a: {  	s1 =	srdreg.scid  }
0x8b: {  	s0 =	sand.u32 $0x1, s1  }
0x8c: {  	s17 =	sshll.u32 s0, $0xA;
	s2 =	sadd.s32 s3, s2  }
0x8d: {  	s2 =	sadd.s32 s2, s17  }
0x8e: {  	[smem:$0x3FBF] =	sst s2  }
0x8f: {  	_ = 	snop  }
0x90: {  	s2 =	sld [smem:$0x3FD0];
	(tm) =	ssettm $0x1  }
0x91: {  	s18 =	sld [smem:$0x3FFB];
	_ =	sdelay $0x3  }
0x92: {  	_ =	strace s18  }
0x93: {  	s3 =	sld [smem:$0x3FFC];
	_ =	sdelay $0x3  }
0x94: {  	_ =	strace s3  }
0x95: {  	s3 =	sld [smem:$0x3FFD];
	_ =	sdelay $0x3  }
0x96: {  	_ =	strace s3  }
0x97: {  	_ =	strace $0x8FFFFFFF  }
0x98: {  	s19 =	sld [smem:$0x3FDB];
	_ =	sdelay $0x1  }
0x99: {  	s4 =	simm.s32 $_scs_section_size  }
0x9a: {  	s5 =	simm.s32 $_size__tile_overlayer_lowered;
	s6 =	simm.s32 $_tile_overlayer_lowered  }
0x9b: {  	s22 =	simm.s32 $0x1BFF;
	s21 =	sshll.u32 s6, $0x1;
	s3 =	sadd.s32 s4, s19  }
0x9c: {  	s7 =	simm.s32 $0x0;
	s20 =	sshll.u32 s5, $0x1;
	s5 =	sadd.s32 s21, s3  }
0x9d: {  	[timem:s7], [sflag:s22] =	dma.local [hbm:s5], s20  }
0x9e: {  	_ =	swait.ge [sflag:s22], s20  }
0x9f: {  	s4 =	ssub.s32 $0x0, s20;
	[sflag:s22] =	ssyncset.done $0x0  }
0xa0: {  	[sflag:s22] =	ssyncadd.s32 s4;
	_ =	sdelay $0x1  }
0xa1: {  	s23 =	simm.s32 $0x1B8B  }
0xa2: {  	_ =	swait.ge [sflag:s23], $0x1  }
0xa3: {  	[sflag:s23] =	ssyncset.done $0x0  }
0xa4: {  	s25 =	simm.s32 $0x1B8E;
	s24 =	sld [smem:$0x3FFE];
	[sflag:s23] =	ssyncadd.s32 $0xFFFFFFFF  }
0xa5: {  	s26 =	simm.s32 $execute0_lowered;
	[smem:$0x3FD2] =	sst s25  }
0xa6: {  	s5 =	sshll.u32 s26, $0x1;
	_ =	strace $0x80000046;
	[dreg:$0x1] =	wrdreg $0xFFFFFFFF  }
0xa7: {  	s28 =	simm.s32 $_size_execute0_lowered;
	s3 =	sadd.s32 s3, s5;
	[dreg:$0x0] =	wrdreg $0x0  }
0xa8: {  	s5 =	sshll.u32 s28, $0x1;
	[dreg:$0x2] =	wrdreg s3  }
0xa9: {  	[dreg:$0x3] =	wrdreg s5  }
0xaa: {  	[dreg:$0x4] =	wrdreg $0xC0  }
0xab: {  	_ =	task [dreg:s7], $0x5FFFF  }
0xac: {  	[dreg:$0x1] =	wrdreg $0xFFFFFFFF  }
0xad: {  	[dreg:$0x0] =	wrdreg $0x60  }
0xae: {  	[dreg:$0x2] =	wrdreg s24  }
0xaf: {  	[dreg:$0x3] =	wrdreg s2  }
0xb0: {  	[dreg:$0x4] =	wrdreg $0x9  }
0xb1: {  	_ =	task.clear_ibuf [dreg:s7], $0x5FFFF;
	_ =	strace $0x90000046  }
0xb2: {  	s29 =	simm.s32 $0x9;
	_ =	strace $0x80000048  }
0xb3: {  	_ =	swait.ge [sflag:s29], $0x1  }
0xb4: {  	[sflag:s29] =	ssyncadd.s32 $0xFFFFFFFF  }
0xb5: {  	_ =	strace $0x90000048  }
0xb6: {  	_ =	sfence  }
0xb7: {  	s30 =	sld [smem:$0x0];
	_ =	sdelay $0x2  }
0xb8: {  	s31 =	sshll.u32 s1, $0xD;
	s1 =	sshrl.u32 s1, $0x2  }
0xb9: {  	s3 =	sand.u32 $0x4000, s31;
	s1 =	sadd.s32 s1, s30  }
0xba: {  	s0 =	sor.u32 s3, s0;
	s1 =	sshll.u32 s1, $0x11  }
0xbb: {  	s0 =	sor.u32 s1, s0  }
0xbc: {  	s0 =	sadd.s32 $0x8F2B, s0  }
0xbd: {  	[sflag:s0] =	ssyncadd.remote.s32 $0x1  }
0xbe: {  	_ =	sfence.sel $0xFFFF  }
0xbf: {  	[dreg:$0x0] =	wrdreg $0xFFFFFFFF;
	(pc) =	sbr.abs _section_cstart, $3  }
0xc0: {  	[dreg:$0x1] =	wrdreg $0xFFFFFFFF  }
0xc1: {  	_ =	task.clear_ibuf [dreg:s7], $0x2FFFF;
	_ =	strace $0x9FFFFFFF  }
0xc2: {  	(tm) =	ssettm $0x7FFFFFFF  }
0xc3: {  	_ =	shalt  }
tec
execute0_lowered:
.L_overlay_start_1:
0x0: {  	(tag) =	ssettag $0x1  }
0x1: {  	s3 =	rddreg [dreg:$0x0]  }
0x2: {  	s5 =	rddreg [dreg:$0x1]  }
0x3: {  	s1 =	srdreg.scid;
	s0 =	stileid.u32  }
0x4: {  	s2 =	simm.s32 $0x0;
	s10 =	simm.s32 $0x2780;
	s11 =	simm.s32 $0x4F00  }
0x5: {  	s12 =	simm.s32 $0x0;
	s4 =	sand.u32 $0x1, s1;
	s1 =	rddreg [dreg:$0x2]  }
0x6: {  	s6 =	sshrl.u32 s0, $0x2;
	s29 =	sshll.u32 s0, $0x8;
	[smem:$0x7FF] =	sst s2  }
0x7: {  	s7 =	sshll.u32 s4, $0x7;
	s8 =	sand.u32 $0x300, s29;
	s9 =	smul.u32 $0x13C00, s6  }
0x8: {  	s6 =	smul.u32 $0x14000, s6;
	s4 =	ssub.s32 $0x2, s4;
	s7 =	sor.u32 s7, s8  }
0x9: {  	_ =	strace $0x80000047;
	s30 =	sshrl.u32 s4, $0x1;
	s8 =	sor.u32 s9, s7  }
0xa: {  	s6 =	sor.u32 s6, s7;
	s31 =	ssub.s32 s4, s30;
	s7 =	simm.s32 $0x80  }
0xb: {  	s9 =	simm.s32 $0x1;
	s8 =	sshrl.u32 s8, $0x3;
	s6 =	sshrl.u32 s6, $0x3  }
0xc: {  	s8 =	sadd.s32 s8, s3;
	s5 =	sadd.s32 s5, s6;
	s6 =	smax.u32 s31, $0x1  }
0xd: {  	v0 =	vimm.f32 $0.0e+00;
	s3 =	sadd.s32 $0xC400, s8;
	s4 =	sadd.s32 $0x2600, s8;
	s8 =	simm.s32 $0x400  }
.LBB2_1:
0xe: {  	[tilespmem:s2], [sflag:$0x1] =	stream.strided.gather [hbm4b:s3+s7], $0x2780, s8, s7, $0x38;
	[tilespmem:$0x7700] =	vst v63  }
0xf: {  	_ =	swait.ge [sflag:s9], $0x2780  }
0x10: {  	[sflag:s9] =	ssyncset.done $0x0  }
0x11: {  	[sflag:s9] =	ssyncadd.s32 $0xFFFFD880  }
0x12: {  	[tilespmem:s10], [sflag:$0x1] =	stream.strided.gather [hbm4b:s4+s7], $0x2780, s8, s7, $0x38;
	[tilespmem:$0x7700] =	vst v63  }
0x13: {  	_ =	swait.ge [sflag:s9], $0x2780  }
0x14: {  	[sflag:s9] =	ssyncset.done $0x0  }
0x15: {  	s13 =	simm.s32 $0x0;
	[sflag:s9] =	ssyncadd.s32 $0xFFFFD880  }
.LBB2_2:
0x16: {  	p0 =	sne.s32 s13, $0x9FC0  }
.Ltmp0:
0x17: {  	_ = 	snop;
	(pc) =	sbr.rel @p0 .LBB2_2-.Ltmp0, $3  }
0x18: {  	_ =	sdelay $0x1  }
0x19: {  	s14 =	sshra.s32 s13, $0x2  }
0x1a: {  	s13 =	sadd.s32 $0x40, s13;
	[tilespmem:s14+$0x4F00] =	vst v0  }
0x1b: {  	s14 =	simm.s32 $0x0;
	s13 =	simm.s32 $0x40  }
.LBB2_4:
0x1c: {  	p0 =	sne.s32 s13, $0x9DC0;
	v1 =	vld [tilespmem:s14+$0x0];
	_ =	sdelay $0x2  }
0x1d: {  	v2 =	vld [tilespmem:s14+$0x2780]  }
.Ltmp1:
0x1e: {  	(pc) =	sbr.rel @p0 .LBB2_4-.Ltmp1, $2  }
0x1f: {  	_ =	sdelay $0x2  }
0x20: {  	s14 =	sshra.s32 s13, $0x2;
	s13 =	sadd.s32 $0x40, s13;
	[tilespmem:v1+s11+$0x0] =	vst.idx.add.f32.msk $0xffff, v2  }
0x21: {  	v1 =	vld [tilespmem:s14+$0x0];
	_ =	sdelay $0x2  }
0x22: {  	v2 =	vld [tilespmem:s14+$0x2780];
	_ =	sdelay $0x2  }
0x23: {  	s12 =	sadd.s32 $0x1, s12  }
0x24: {  	p0 =	sne.s32 s12, s6  }
.Ltmp2:
0x25: {  	[tilespmem:v1+s11+$0x0] =	vst.idx.add.f32.msk $0xffff, v2;
	(pc) =	sbr.rel @p0 .LBB2_1-.Ltmp2, $4  }
0x26: {  	[hbm4b:s5+s7] =	stream.strided.scatter [tilespmem:s11], [sflag:$0x1], $0x2800, s8, s7, $0x38;
	[tilespmem:$0x7700] =	vst v63  }
0x27: {  	_ =	swait.ge [sflag:s9], $0x2800  }
0x28: {  	[sflag:s9] =	ssyncset.done $0x0  }
0x29: {  	[sflag:s9] =	ssyncadd.s32 $0xFFFFD800  }
0x2a: {  	_ =	sfence.sel $0x180000  }
0x2b: {  	[bflag:$0x0] =	sbarrier.arrive $0xFFFF  }
0x2c: {  	p0 =	sne.s32 s0, $0x0;
	_ =	strace $0x90000047  }
0x2d: {  	s0 =	sadd.s32 @!p0 $0x100000, s1;
	[bflag:$0x2] =	sbarrier.arrive $0xFFFF  }
0x2e: {  	[sflag:s0] =	ssyncadd.tile.s32 @!p0 $0x1;
	_ =	shalt  }
.Lfunc_end2:
_tile_overlayer_lowered:
.L_overlay_start_2:
0x2f: {  	(tag) =	ssettag $0x2  }
0x30: {  	s0 =	rddreg [dreg:$0x0];
	s2 =	stileid.u32  }
0x31: {  	s1 =	rddreg [dreg:$0x1];
	p0 =	sne.s32 s2, $0x0  }
0x32: {  	s3 =	rddreg [dreg:$0x2];
	[bflag:$0x3] =	sbarrier.arrive $0xFFFF;
	s2 =	simm.s32 @!p0 $0x1C01  }
0x33: {  	[timem:s3], [sflag:s2] =	dma.local @!p0 [hbm:s0], s1  }
0x34: {  	s0 =	simm.s32 @!p0 $0x1  }
0x35: {  	_ =	swait.ge @!p0 [sflag:s0], s1  }
0x36: {  	s1 =	ssub.s32 @!p0 $0x0, s1;
	[sflag:s0] =	ssyncset.done @!p0 $0x0  }
0x37: {  	[sflag:s0] =	ssyncadd.s32 @!p0 s1  }
0x38: {  	[bflag:$0x3] =	sbarrier.arrive $0xFFFF  }
0x39: {  	_ =	shalt  }

// kernel: kernel.9.cloned.1.call-start
scs
__scs_entry_jumppad:
0x0: {  	(pc) =	sbr.rel $0x88, $3  }
0x1: {  	(tag) =	ssettag $0x0;
	lr =	simm.s32 $0x1  }
0x2: {  	[smem:$0x3F98] =	sst lr;
	_ =	strace $0xD0000000  }
0x3: {  	_ = 	snop  }
0x4: {  	_ = 	snop  }
0x5: {  	_ = 	snop  }
0x6: {  	_ = 	snop  }
0x7: {  	_ = 	snop  }
__scs_overlays_trampoline_lowered:
0x8: {  	[smem:$0x3FA7] =	sst s0  }
0x9: {  	[smem:$0x3FA8] =	sst s1  }
0xa: {  	[smem:$0x3FA9] =	sst s2  }
0xb: {  	[smem:$0x3FAA] =	sst s3  }
0xc: {  	[smem:$0x3FAB] =	sst s4  }
0xd: {  	[smem:$0x3FAC] =	sst s5  }
0xe: {  	[smem:$0x3FAD] =	sst s6  }
0xf: {  	[smem:$0x3FAE] =	sst s7  }
0x10: {  	[smem:$0x3FAF] =	sst s8  }
0x11: {  	[smem:$0x3FB0] =	sst s9;
	s0 =	simm.s32 @!p0 $0x0  }
0x12: {  	s1 =	sld [smem:$0x3F96];
	s0 =	simm.s32 @p0 $0x1  }
0x13: {  	[smem:$0x3FB1] =	sst s0;
	s0 =	simm.s32 @!p1 $0x0  }
0x14: {  	s2 =	sld [smem:$0x3F95];
	s0 =	simm.s32 @p1 $0x1  }
0x15: {  	[smem:$0x3FB2] =	sst s0;
	s0 =	simm.s32 @!p2 $0x0  }
0x16: {  	s3 =	sld [smem:$0x3FDB];
	s0 =	simm.s32 @p2 $0x1  }
0x17: {  	s4 =	simm.s32 $0x1BF5;
	[smem:$0x3FB4] =	sst s0  }
0x18: {  	s0 =	sld [smem:$0x3F97];
	_ =	swait.ge [sflag:s4], $0x0  }
0x19: {  	s7 =	sld [smem:$0x3F98]  }
0x1a: {  	s8 =	sadd.s32 $0xFFFFE003, lr  }
0x1b: {  	s9 =	sadd.s32 $0xFFFFFEF7, lr;
	s5 =	simm.s32 $0xFFFFFFFF;
	p2 =	slt.u32 s8, $0xFFFFF086  }
0x1c: {  	p1 =	slt.u32 s9, $0xF7A;
	s5 =	simm.s32 @!p2 $0x0  }
0x1d: {  	s5 =	simm.s32 @p1 $0x1;
	p0 =	seq.s32 s7, s2  }
0x1e: {  	s7 =	smul.u32 @!p0 $0xF7A, s2;
	p2 =	seq.s32 @!p0 s5, $0x0  }
0x1f: {  	s9 =	smul.u32 $0xF7A, s1;
	s8 =	simm.s32 @!p0 $0x1BF5;
	p2 =	por !p2, p0  }
0x20: {  	[sflag:s8] =	ssyncset.s32 @!p0 $0xFFFFF086;
	s6 =	sadd.s32 @!p0 s3, s7;
	s7 =	simm.s32 @!p0 $0x108  }
0x21: {  	s3 =	sadd.s32 s3, s9;
	s6 =	sadd.s32 @!p0 $0x88, s6;
	s7 =	simm.s32 @p2 $0x1082  }
0x22: {  	[simem:s7], [sflag:s8] =	dma.local @!p0 [hbm:s6], $0xF7A  }
0x23: {  	s9 =	sor.u32 $0xD0000000, s2;
	s6 =	simm.s32 $0x108;
	_ =	swait.ge @!p0 [sflag:s8], $0x0  }
0x24: {  	s3 =	sadd.s32 $0x88, s3;
	s6 =	simm.s32 @!p1 $0x1082;
	[sflag:s4] =	ssyncset.s32 $0xFFFFF086  }
0x25: {  	[simem:s6], [sflag:s4] =	dma.local [hbm:s3], $0xF7A  }
0x26: {  	[smem:$0x3F98] =	sst s1;
	(tag) =	ssettag s2;
	_ =	strace s9  }
0x27: {  	s1 =	sld [smem:$0x3FA8]  }
0x28: {  	s2 =	sld [smem:$0x3FA9]  }
0x29: {  	s4 =	sld [smem:$0x3FAB]  }
0x2a: {  	p0 =	seq.s32 s5, $0x0;
	s5 =	sld [smem:$0x3FAC]  }
0x2b: {  	s6 =	sld [smem:$0x3FAD]  }
0x2c: {  	s7 =	sld [smem:$0x3FAE]  }
0x2d: {  	s3 =	simm.s32 $0x108;
	s8 =	sld [smem:$0x3FAF]  }
0x2e: {  	s3 =	simm.s32 @!p0 $0x1082;
	s9 =	sld [smem:$0x3FB0]  }
0x2f: {  	lr =	sadd.s32 s0, s3;
	s0 =	sld [smem:$0x3FA7]  }
0x30: {  	s3 =	sld [smem:$0x3FAA]  }
0x31: {  	[smem:$0x3FB3] =	sst s10  }
0x32: {  	s10 =	sld [smem:$0x3FB1];
	_ =	sdelay $0x3  }
0x33: {  	p0 =	seq.s32 s10, $0x1;
	s10 =	sld [smem:$0x3FB3];
	_ =	sdelay $0x3  }
0x34: {  	[smem:$0x3FB3] =	sst s10  }
0x35: {  	s10 =	sld [smem:$0x3FB2];
	_ =	sdelay $0x3  }
0x36: {  	p1 =	seq.s32 s10, $0x1;
	s10 =	sld [smem:$0x3FB3];
	_ =	sdelay $0x3  }
0x37: {  	[smem:$0x3FB3] =	sst s10  }
0x38: {  	s10 =	sld [smem:$0x3FB4]  }
0x39: {  	_ = 	snop;
	(pc) =	sbr.ind lr, $3  }
0x3a: {  	_ = 	snop  }
0x3b: {  	_ = 	snop  }
0x3c: {  	p2 =	seq.s32 s10, $0x1;
	s10 =	sld [smem:$0x3FB3]  }
0x3d: {  	_ =	shalt  }
0x3e: {  	_ =	shalt  }
0x3f: {  	_ =	shalt  }
0x40: {  	_ =	shalt  }
0x41: {  	_ =	shalt  }
0x42: {  	_ =	shalt  }
0x43: {  	_ =	shalt  }
0x44: {  	_ =	shalt  }
0x45: {  	_ =	shalt  }
0x46: {  	_ =	shalt  }
0x47: {  	_ =	shalt  }
0x48: {  	_ =	shalt  }
0x49: {  	_ =	shalt  }
0x4a: {  	_ =	shalt  }
0x4b: {  	_ =	shalt  }
0x4c: {  	_ =	shalt  }
0x4d: {  	_ =	shalt  }
0x4e: {  	_ =	shalt  }
0x4f: {  	_ =	shalt  }
0x50: {  	_ =	shalt  }
0x51: {  	_ =	shalt  }
0x52: {  	_ =	shalt  }
0x53: {  	_ =	shalt  }
0x54: {  	_ =	shalt  }
0x55: {  	_ =	shalt  }
0x56: {  	_ =	shalt  }
0x57: {  	_ =	shalt  }
0x58: {  	_ =	shalt  }
0x59: {  	_ =	shalt  }
0x5a: {  	_ =	shalt  }
0x5b: {  	_ =	shalt  }
0x5c: {  	_ =	shalt  }
0x5d: {  	_ =	shalt  }
0x5e: {  	_ =	shalt  }
0x5f: {  	_ =	shalt  }
0x60: {  	_ =	shalt  }
0x61: {  	_ =	shalt  }
0x62: {  	_ =	shalt  }
0x63: {  	_ =	shalt  }
0x64: {  	_ =	shalt  }
0x65: {  	_ =	shalt  }
0x66: {  	_ =	shalt  }
0x67: {  	_ =	shalt  }
0x68: {  	_ =	shalt  }
0x69: {  	_ =	shalt  }
0x6a: {  	_ =	shalt  }
0x6b: {  	_ =	shalt  }
0x6c: {  	_ =	shalt  }
0x6d: {  	_ =	shalt  }
0x6e: {  	_ =	shalt  }
0x6f: {  	_ =	shalt  }
0x70: {  	_ =	shalt  }
0x71: {  	_ =	shalt  }
0x72: {  	_ =	shalt  }
0x73: {  	_ =	shalt  }
0x74: {  	_ =	shalt  }
0x75: {  	_ =	shalt  }
0x76: {  	_ =	shalt  }
0x77: {  	_ =	shalt  }
0x78: {  	_ =	shalt  }
0x79: {  	_ =	shalt  }
0x7a: {  	_ =	shalt  }
0x7b: {  	_ =	shalt  }
0x7c: {  	_ =	shalt  }
0x7d: {  	_ =	shalt  }
0x7e: {  	_ =	shalt  }
0x7f: {  	_ =	shalt  }
0x80: {  	_ =	shalt  }
0x81: {  	_ =	shalt  }
0x82: {  	_ =	shalt  }
0x83: {  	_ =	shalt  }
0x84: {  	_ =	shalt  }
0x85: {  	_ =	shalt  }
0x86: {  	_ =	shalt  }
0x87: {  	_ =	shalt  }
.Lfunc_end0:
.L_simem_size_0:
called_computation.1_lowered:
.L_overlay_start_0:
0x88: {  	s2 =	sld [smem:$0x3FD9]  }
0x89: {  	s3 =	sld [smem:$0x3FFE];
	_ =	sdelay $0x1  }
0x8a: {  	s1 =	srdreg.scid  }
0x8b: {  	s0 =	sand.u32 $0x1, s1  }
0x8c: {  	s17 =	sshll.u32 s0, $0xA;
	s2 =	sadd.s32 s3, s2  }
0x8d: {  	s2 =	sadd.s32 s2, s17  }
0x8e: {  	[smem:$0x3FBF] =	sst s2  }
0x8f: {  	_ = 	snop  }
0x90: {  	s2 =	sld [smem:$0x3FD0];
	(tm) =	ssettm $0x1  }
0x91: {  	s18 =	sld [smem:$0x3FFB];
	_ =	sdelay $0x3  }
0x92: {  	_ =	strace s18  }
0x93: {  	s3 =	sld [smem:$0x3FFC];
	_ =	sdelay $0x3  }
0x94: {  	_ =	strace s3  }
0x95: {  	s3 =	sld [smem:$0x3FFD];
	_ =	sdelay $0x3  }
0x96: {  	_ =	strace s3  }
0x97: {  	_ =	strace $0x8FFFFFFF  }
0x98: {  	s19 =	sld [smem:$0x3FDB];
	_ =	sdelay $0x1  }
0x99: {  	s4 =	simm.s32 $_scs_section_size  }
0x9a: {  	s5 =	simm.s32 $_size__tile_overlayer_lowered;
	s6 =	simm.s32 $_tile_overlayer_lowered  }
0x9b: {  	s22 =	simm.s32 $0x1BFF;
	s21 =	sshll.u32 s6, $0x1;
	s3 =	sadd.s32 s4, s19  }
0x9c: {  	s7 =	simm.s32 $0x0;
	s20 =	sshll.u32 s5, $0x1;
	s5 =	sadd.s32 s21, s3  }
0x9d: {  	[timem:s7], [sflag:s22] =	dma.local [hbm:s5], s20  }
0x9e: {  	_ =	swait.ge [sflag:s22], s20  }
0x9f: {  	s4 =	ssub.s32 $0x0, s20;
	[sflag:s22] =	ssyncset.done $0x0  }
0xa0: {  	[sflag:s22] =	ssyncadd.s32 s4;
	_ =	sdelay $0x1  }
0xa1: {  	s23 =	simm.s32 $0x1B8B  }
0xa2: {  	_ =	swait.ge [sflag:s23], $0x1  }
0xa3: {  	[sflag:s23] =	ssyncset.done $0x0  }
0xa4: {  	s25 =	simm.s32 $0x1B8E;
	s24 =	sld [smem:$0x3FFE];
	[sflag:s23] =	ssyncadd.s32 $0xFFFFFFFF  }
0xa5: {  	s26 =	simm.s32 $execute0_lowered;
	[smem:$0x3FD2] =	sst s25  }
0xa6: {  	s5 =	sshll.u32 s26, $0x1;
	_ =	strace $0x80000049;
	[dreg:$0x1] =	wrdreg $0xFFFFFFFF  }
0xa7: {  	s28 =	simm.s32 $_size_execute0_lowered;
	s3 =	sadd.s32 s3, s5;
	[dreg:$0x0] =	wrdreg $0x0  }
0xa8: {  	s5 =	sshll.u32 s28, $0x1;
	[dreg:$0x2] =	wrdreg s3  }
0xa9: {  	[dreg:$0x3] =	wrdreg s5  }
0xaa: {  	[dreg:$0x4] =	wrdreg $0xC0  }
0xab: {  	_ =	task [dreg:s7], $0x5FFFF  }
0xac: {  	[dreg:$0x1] =	wrdreg $0xFFFFFFFF  }
0xad: {  	[dreg:$0x0] =	wrdreg $0x60  }
0xae: {  	[dreg:$0x2] =	wrdreg s24  }
0xaf: {  	[dreg:$0x3] =	wrdreg s2  }
0xb0: {  	[dreg:$0x4] =	wrdreg $0xB6800  }
0xb1: {  	[dreg:$0x5] =	wrdreg $0x9  }
0xb2: {  	_ =	task.clear_ibuf [dreg:s7], $0x6FFFF;
	_ =	strace $0x90000049  }
0xb3: {  	s29 =	simm.s32 $0x9;
	_ =	strace $0x8000004B  }
0xb4: {  	_ =	swait.ge [sflag:s29], $0x1  }
0xb5: {  	[sflag:s29] =	ssyncadd.s32 $0xFFFFFFFF  }
0xb6: {  	_ =	strace $0x9000004B  }
0xb7: {  	_ =	sfence  }
0xb8: {  	s30 =	sld [smem:$0x0];
	_ =	sdelay $0x2  }
0xb9: {  	s31 =	sshll.u32 s1, $0xD;
	s1 =	sshrl.u32 s1, $0x2  }
0xba: {  	s3 =	sand.u32 $0x4000, s31;
	s1 =	sadd.s32 s1, s30  }
0xbb: {  	s0 =	sor.u32 s3, s0;
	s1 =	sshll.u32 s1, $0x11  }
0xbc: {  	s0 =	sor.u32 s1, s0  }
0xbd: {  	s0 =	sadd.s32 $0x8F2B, s0  }
0xbe: {  	[sflag:s0] =	ssyncadd.remote.s32 $0x1  }
0xbf: {  	_ =	sfence.sel $0xFFFF  }
0xc0: {  	[dreg:$0x0] =	wrdreg $0xFFFFFFFF;
	(pc) =	sbr.abs _section_cstart, $3  }
0xc1: {  	[dreg:$0x1] =	wrdreg $0xFFFFFFFF  }
0xc2: {  	_ =	task.clear_ibuf [dreg:s7], $0x2FFFF;
	_ =	strace $0x9FFFFFFF  }
0xc3: {  	(tm) =	ssettm $0x7FFFFFFF  }
tec
execute0_lowered:
.L_overlay_start_1:
0x0: {  	(tag) =	ssettag $0x1  }
0x1: {  	s0 =	rddreg [dreg:$0x0]  }
0x2: {  	s2 =	rddreg [dreg:$0x1]  }
0x3: {  	s3 =	rddreg [dreg:$0x2];
	s9 =	stileid.u32  }
0x4: {  	s1 =	srdreg.scid;
	s28 =	simm.s32 $0x1;
	s29 =	simm.s32 $0x40  }
0x5: {  	s30 =	simm.s32 $0x2;
	s31 =	simm.s32 $0x3;
	s15 =	smul.u32 $0x14000, s9  }
0x6: {  	s4 =	sshrl.u32 s9, $0x2;
	s1 =	sand.u32 $0x1, s1;
	s17 =	smul.u32 $0x50000, s9  }
0x7: {  	s14 =	sshll.u32 s9, $0x8;
	s5 =	smul.u32 $0x13C00, s4;
	s6 =	sshll.u32 s1, $0x7  }
0x8: {  	s7 =	sand.u32 $0x300, s14;
	s8 =	smul.u32 $0x140000, s1;
	s4 =	simm.s32 $0x0  }
0x9: {  	s1 =	ssub.s32 $0x2, s1;
	s6 =	sor.u32 s6, s7;
	[smem:$0x7FF] =	sst s4  }
0xa: {  	s18 =	sshrl.u32 s1, $0x1;
	s20 =	sshrl.u32 s17, $0x2;
	s5 =	sor.u32 s5, s6  }
0xb: {  	_ =	strace $0x8000004A;
	s16 =	sadd.s32 s15, s8;
	s1 =	ssub.s32 s1, s18  }
0xc: {  	s8 =	sadd.s32 s20, s3;
	s20 =	simm.s32 $0x80;
	s5 =	sshrl.u32 s5, $0x3  }
0xd: {  	s6 =	sshrl.u32 s16, $0x3;
	s22 =	sadd.s32 $0x2000, s8;
	s23 =	sadd.s32 $0x4000, s8  }
0xe: {  	s24 =	sadd.s32 $0x6000, s8;
	s25 =	sadd.s32 $0x8000, s8;
	[dreg:$0x7] =	wrdreg s22  }
0xf: {  	s26 =	sadd.s32 $0xA000, s8;
	s14 =	sadd.s32 $0xC000, s8;
	[dreg:$0x8] =	wrdreg s23  }
0x10: {  	s15 =	sadd.s32 $0xE000, s8;
	s16 =	sadd.s32 $0x10000, s8;
	[dreg:$0x9] =	wrdreg s24  }
0x11: {  	s17 =	sadd.s32 $0x12000, s8;
	s5 =	sadd.s32 s5, s0;
	[dreg:$0xa] =	wrdreg s25  }
0x12: {  	s0 =	sadd.s32 s6, s0;
	[dreg:$0xb] =	wrdreg s26;
	s22 =	simm.s32 $0x5  }
.Ltmp0:
0x13: {  	s24 =	simm.s32 $0x4F00;
	s25 =	simm.s32 $0x7680;
	(pc) =	sbr.rel .LBB2_1-.Ltmp0, $4  }
0x14: {  	s26 =	simm.s32 $0x9680;
	s23 =	simm.s32 $0x0;
	s19 =	sadd.s32 $0x16200, s5  }
0x15: {  	s21 =	sadd.s32 $0xC400, s5;
	s5 =	sadd.s32 $0x2600, s5;
	[dreg:$0x4] =	wrdreg s19  }
0x16: {  	s18 =	sadd.s32 $0x20000, s0;
	s0 =	simm.s32 $0x4;
	[dreg:$0x5] =	wrdreg s21  }
0x17: {  	v0 =	vimm.f32 $0.0e+00;
	[dreg:$0x6] =	wrdreg s5;
	s19 =	smax.u32 s1, $0x1;
	s21 =	simm.s32 $0x400  }
.LBB2_10:
0x18: {  	_ =	swait.ge [sflag:s31], $0x2000  }
0x19: {  	[sflag:s31] =	ssyncset.done $0x0  }
0x1a: {  	[sflag:s31] =	ssyncadd.s32 $0xFFFFE000  }
0x1b: {  	s1 =	stileid.u32;
	_ =	swait.ge [sflag:s0], $0x2000  }
0x1c: {  	s5 =	sshrl.u32 s8, $0x3;
	s23 =	sadd.s32 $0x1, s23;
	[sflag:s0] =	ssyncset.done $0x0  }
0x1d: {  	s1 =	sshll.u32 s1, $0x6;
	p0 =	sne.s32 s23, s19;
	[sflag:s0] =	ssyncadd.s32 $0xFFFFE000  }
.Ltmp1:
0x1e: {  	s1 =	sor.u32 $0x1C05, s1;
	[bflag:$0x0] =	sbarrier.arrive $0xFFFF;
	(pc) =	sbr.rel @!p0 .LBB2_11-.Ltmp1, $4  }
0x1f: {  	[hbm:s18], [sflag:s1] =	dma.local [spmem:s5], $0x2800  }
0x20: {  	_ =	swait.ge [sflag:s22], $0x2800  }
0x21: {  	[sflag:s22] =	ssyncset.done $0x0  }
0x22: {  	[sflag:s22] =	ssyncadd.s32 $0xFFFFD800  }
.LBB2_1:
0x23: {  	s1 =	rddreg [dreg:$0x4]  }
0x24: {  	[tilespmem:s4], [sflag:$0x5] =	stream.strided.gather [hbm4b:s1+s20], $0x2780, s21, s20, $0x38;
	[tilespmem:$0x1F680] =	vst v63  }
0x25: {  	_ =	swait.ge [sflag:s22], $0x2780  }
0x26: {  	[sflag:s22] =	ssyncset.done $0x0  }
0x27: {  	s5 =	simm.s32 $0x2780;
	s10 =	rddreg [dreg:$0x5];
	[sflag:s22] =	ssyncadd.s32 $0xFFFFD880  }
0x28: {  	[tilespmem:s5], [sflag:$0x5] =	stream.strided.gather [hbm4b:s10+s20], $0x2780, s21, s20, $0x38;
	[tilespmem:$0x1F680] =	vst v63  }
0x29: {  	_ =	swait.ge [sflag:s22], $0x2780  }
0x2a: {  	[sflag:s22] =	ssyncset.done $0x0  }
0x2b: {  	s11 =	rddreg [dreg:$0x6];
	[sflag:s22] =	ssyncadd.s32 $0xFFFFD880  }
0x2c: {  	[tilespmem:s24], [sflag:$0x5] =	stream.strided.gather [hbm4b:s11+s20], $0x2780, s21, s20, $0x38;
	[tilespmem:$0x1F680] =	vst v63  }
0x2d: {  	s12 =	sand.u32 $0x7E00, s4;
	s13 =	sand.u32 $0x70, s4;
	_ =	swait.ge [sflag:s22], $0x2780  }
0x2e: {  	s6 =	sshrl.u32 s12, $0x2;
	s1 =	simm.s32 $0x40;
	[sflag:s22] =	ssyncset.done $0x0  }
0x2f: {  	s6 =	sor.u32 s13, s6;
	s5 =	simm.s32 $0x0;
	[sflag:s22] =	ssyncadd.s32 $0xFFFFD880  }
.LBB2_2:
0x30: {  	p0 =	sne.s32 s1, $0x7FC0  }
0x31: {  	[tilespmem:s6+$0x7680] =	vst v0;
	s5 =	sadd.s32 $0x10, s5;
	s6 =	smov.u32 s1;
	s1 =	sadd.s32 $0x40, s1  }
.Ltmp2:
0x32: {  	(pc) =	sbr.rel @p0 .LBB2_2-.Ltmp2, $4  }
0x33: {  	_ = 	snop  }
0x34: {  	s6 =	sand.u32 $0x7E00, s6  }
0x35: {  	s7 =	sand.u32 $0x70, s5;
	s6 =	sshrl.u32 s6, $0x2  }
0x36: {  	s6 =	sor.u32 s7, s6  }
0x37: {  	[tilespmem:s6+$0x7680] =	vst v0  }
0x38: {  	[spmem:s8] =	stream.linear.scatter [tilespmem:s25], [sflag:$0x5], $0x2000, $0x38;
	[tilespmem:$0x1F680] =	vst v63  }
0x39: {  	_ =	swait.ge [sflag:s22], $0x2000  }
0x3a: {  	[sflag:s22] =	ssyncset.done $0x0  }
0x3b: {  	s1 =	rddreg [dreg:$0x7];
	[sflag:s22] =	ssyncadd.s32 $0xFFFFE000  }
0x3c: {  	[spmem:s1] =	stream.linear.scatter [tilespmem:s25], [sflag:$0x5], $0x2000, $0x38;
	[tilespmem:$0x1F680] =	vst v63  }
0x3d: {  	_ =	swait.ge [sflag:s22], $0x2000  }
0x3e: {  	[sflag:s22] =	ssyncset.done $0x0  }
0x3f: {  	s10 =	rddreg [dreg:$0x8];
	[sflag:s22] =	ssyncadd.s32 $0xFFFFE000  }
0x40: {  	[spmem:s10] =	stream.linear.scatter [tilespmem:s25], [sflag:$0x5], $0x2000, $0x38;
	[tilespmem:$0x1F680] =	vst v63  }
0x41: {  	_ =	swait.ge [sflag:s22], $0x2000  }
0x42: {  	[sflag:s22] =	ssyncset.done $0x0  }
0x43: {  	s11 =	rddreg [dreg:$0x9];
	[sflag:s22] =	ssyncadd.s32 $0xFFFFE000  }
0x44: {  	[spmem:s11] =	stream.linear.scatter [tilespmem:s25], [sflag:$0x5], $0x2000, $0x38;
	[tilespmem:$0x1F680] =	vst v63  }
0x45: {  	_ =	swait.ge [sflag:s22], $0x2000  }
0x46: {  	[sflag:s22] =	ssyncset.done $0x0  }
0x47: {  	s12 =	rddreg [dreg:$0xa];
	[sflag:s22] =	ssyncadd.s32 $0xFFFFE000  }
0x48: {  	[spmem:s12] =	stream.linear.scatter [tilespmem:s25], [sflag:$0x5], $0x2000, $0x38;
	[tilespmem:$0x1F680] =	vst v63  }
0x49: {  	_ =	swait.ge [sflag:s22], $0x2000  }
0x4a: {  	[sflag:s22] =	ssyncset.done $0x0  }
0x4b: {  	s13 =	rddreg [dreg:$0xb];
	[sflag:s22] =	ssyncadd.s32 $0xFFFFE000  }
0x4c: {  	[spmem:s13] =	stream.linear.scatter [tilespmem:s25], [sflag:$0x5], $0x2000, $0x38;
	[tilespmem:$0x1F680] =	vst v63  }
0x4d: {  	_ =	swait.ge [sflag:s22], $0x2000  }
0x4e: {  	[sflag:s22] =	ssyncset.done $0x0  }
0x4f: {  	[sflag:s22] =	ssyncadd.s32 $0xFFFFE000  }
0x50: {  	[spmem:s14] =	stream.linear.scatter [tilespmem:s25], [sflag:$0x5], $0x2000, $0x38;
	[tilespmem:$0x1F680] =	vst v63  }
0x51: {  	_ =	swait.ge [sflag:s22], $0x2000  }
0x52: {  	[sflag:s22] =	ssyncset.done $0x0  }
0x53: {  	[sflag:s22] =	ssyncadd.s32 $0xFFFFE000  }
0x54: {  	[spmem:s15] =	stream.linear.scatter [tilespmem:s25], [sflag:$0x5], $0x2000, $0x38;
	[tilespmem:$0x1F680] =	vst v63  }
0x55: {  	_ =	swait.ge [sflag:s22], $0x2000  }
0x56: {  	[sflag:s22] =	ssyncset.done $0x0  }
0x57: {  	[sflag:s22] =	ssyncadd.s32 $0xFFFFE000  }
0x58: {  	[spmem:s16] =	stream.linear.scatter [tilespmem:s25], [sflag:$0x5], $0x2000, $0x38;
	[tilespmem:$0x1F680] =	vst v63  }
0x59: {  	_ =	swait.ge [sflag:s22], $0x2000  }
0x5a: {  	[sflag:s22] =	ssyncset.done $0x0  }
0x5b: {  	[sflag:s22] =	ssyncadd.s32 $0xFFFFE000  }
0x5c: {  	[spmem:s17] =	stream.linear.scatter [tilespmem:s25], [sflag:$0x5], $0x2000, $0x38;
	[tilespmem:$0x1F680] =	vst v63  }
0x5d: {  	_ =	swait.ge [sflag:s22], $0x2000  }
0x5e: {  	[sflag:s22] =	ssyncset.done $0x0  }
0x5f: {  	[sflag:s22] =	ssyncadd.s32 $0xFFFFE000  }
0x60: {  	s5 =	simm.s32 $0x0;
	s1 =	simm.s32 $0x40;
	[bflag:$0x0] =	sbarrier.arrive $0xFFFF  }
0x61: {  	[tilespmem:s25], [sflag:$0x1] =	stream.indirect.gather [hbm4b:s2+s1], $0x80, s5, s1, $0xb8;
	[tilespmem:$0x1F680] =	vst v63  }
0x62: {  	s6 =	simm.s32 $0x0  }
0x63: {  	[tilespmem:s26], [sflag:$0x2] =	stream.indirect.gather [hbm4b:s2+s1], $0x80, s1, s1, $0xb8;
	[tilespmem:$0x1F680] =	vst v63  }
.LBB2_4:
0x64: {  	_ =	swait.ge [sflag:s28], $0x2000;
	s7 =	sadd.s32 $0x0, s5  }
0x65: {  	[sflag:s28] =	ssyncset.done $0x0;
	v1 =	vmov s7  }
0x66: {  	s9 =	simm.s32 $0x76C0;
	[sflag:s28] =	ssyncadd.s32 $0xFFFFE000  }
0x67: {  	v5 =	vld [tilespmem:s9+$0x30]  }
0x68: {  	v8 =	vld [tilespmem:s9+$0x10]  }
0x69: {  	v6 =	vld [tilespmem:s9+$0xFFFFFFC0]  }
0x6a: {  	v2 =	vld.idx.msk [tilespmem:v1+s24+$0x0], $0xffff  }
0x6b: {  	v10 =	vld [tilespmem:s9+$0xFFFFFFE0]  }
0x6c: {  	v3 =	vld [tilespmem:s9+$0x20]  }
0x6d: {  	v4 =	vld [tilespmem:s9+$0xFFFFFFD0]  }
0x6e: {  	v1 =	vld [tilespmem:s9+$0xFFFFFFF0]  }
0x6f: {  	v9 =	vmul.f32 v5, v2;
	v5 =	vld [tilespmem:s9+$0x0]  }
0x70: {  	v7 =	vmul.f32 v6, v2  }
0x71: {  	s10 =	simm.s32 $0x1;
	s11 =	simm.s32 $0x76C0;
	s7 =	sshll.u32 s6, $0x7;
	v6 =	vmul.f32 v10, v2;
	v8 =	vmul.f32 v8, v2  }
.LBB2_5:
0x72: {  	p0 =	sne.s32 s10, $0x3F  }
0x73: {  	v4 =	vmul.f32 v4, v2;
	v3 =	vmul.f32 v3, v2;
	[tilespmem:s9+$0x30] =	vst v9;
	s11 =	sadd.s32 $0x80, s11;
	s12 =	smov.u32 s10;
	s10 =	sadd.s32 $0x1, s10  }
0x74: {  	[tilespmem:s9+$0xFFFFFFC0] =	vst v7;
	v7 =	vmul.f32 v1, v2;
	v2 =	vmul.f32 v5, v2  }
0x75: {  	s12 =	sadd.s32 s12, s5;
	[tilespmem:s9+$0x10] =	vst v8  }
0x76: {  	v5 =	vmov s12;
	[tilespmem:s9+$0xFFFFFFE0] =	vst v6  }
0x77: {  	v1 =	vld [tilespmem:s11+$0xFFFFFFF0];
	[tilespmem:s9+$0xFFFFFFF0] =	vst v7  }
0x78: {  	v6 =	vld [tilespmem:s11+$0x30];
	[tilespmem:s9+$0x0] =	vst v2  }
0x79: {  	v8 =	vld [tilespmem:s11+$0x10];
	[tilespmem:s9+$0x20] =	vst v3  }
0x7a: {  	v7 =	vld [tilespmem:s11+$0xFFFFFFC0];
	[tilespmem:s9+$0xFFFFFFD0] =	vst v4;
	s9 =	smov.u32 s11  }
0x7b: {  	v2 =	vld.idx.msk [tilespmem:v5+s24+$0x0], $0xffff  }
0x7c: {  	v10 =	vld [tilespmem:s11+$0xFFFFFFE0]  }
0x7d: {  	v3 =	vld [tilespmem:s11+$0x20]  }
.Ltmp3:
0x7e: {  	v4 =	vld [tilespmem:s11+$0xFFFFFFD0];
	(pc) =	sbr.rel @p0 .LBB2_5-.Ltmp3, $3  }
0x7f: {  	v5 =	vld [tilespmem:s11+$0x0];
	_ =	sdelay $0x1  }
0x80: {  	v7 =	vmul.f32 v7, v2;
	v9 =	vmul.f32 v6, v2  }
0x81: {  	v8 =	vmul.f32 v8, v2;
	v6 =	vmul.f32 v10, v2  }
0x82: {  	[tilespmem:s9+$0x30] =	vst v9  }
0x83: {  	[tilespmem:s9+$0xFFFFFFC0] =	vst v7  }
0x84: {  	v1 =	vmul.f32 v1, v2;
	[tilespmem:s9+$0x10] =	vst v8  }
0x85: {  	v3 =	vmul.f32 v3, v2;
	[tilespmem:s9+$0xFFFFFFE0] =	vst v6  }
0x86: {  	v5 =	vmul.f32 v5, v2;
	[tilespmem:s9+$0xFFFFFFF0] =	vst v1  }
0x87: {  	v1 =	vmul.f32 v4, v2;
	[tilespmem:s9+$0x20] =	vst v3  }
0x88: {  	p0 =	seq.s32 s6, $0x4E;
	[tilespmem:s9+$0x0] =	vst v5  }
0x89: {  	s12 =	sadd.s32 $0x2780, s7;
	[tilespmem:s9+$0xFFFFFFD0] =	vst v1;
	s9 =	simm.s32 @!p0 $0x3  }
0x8a: {  	[spmem:s3] =	stream.indirect.scatter.add.f32 [tilespmem:s25], [sflag:$0x3], $0x80, s12, s29, $0xb8;
	[tilespmem:$0x1F680] =	vst v63  }
0x8b: {  	_ =	swait.ge @!p0 [sflag:s9], $0x2000  }
0x8c: {  	s10 =	sshll.u32 @!p0 s6, $0x7;
	[sflag:s9] =	ssyncset.done @!p0 $0x0  }
0x8d: {  	[sflag:s9] =	ssyncadd.s32 @!p0 $0xFFFFE000;
	s9 =	sand.u32 @!p0 $0x3FFFFF80, s10  }
0x8e: {  	s11 =	simm.s32 @!p0 $0x7680;
	s10 =	simm.s32 @!p0 $0x40;
	s9 =	sadd.s32 @!p0 $0x80, s9  }
0x8f: {  	[tilespmem:s11], [sflag:$0x1] =	stream.indirect.gather @!p0 [hbm4b:s2+s10], $0x80, s9, s10, $0xb8;
	[tilespmem:$0x1F680] =	vst v63  }
0x90: {  	s13 =	sadd.s32 $0x0, s1;
	_ =	swait.ge [sflag:s30], $0x2000  }
0x91: {  	v1 =	vmov s13;
	[sflag:s30] =	ssyncset.done $0x0  }
0x92: {  	s9 =	simm.s32 $0x96C0;
	[sflag:s30] =	ssyncadd.s32 $0xFFFFE000  }
0x93: {  	v5 =	vld [tilespmem:s9+$0x30]  }
0x94: {  	v8 =	vld [tilespmem:s9+$0x10]  }
0x95: {  	v6 =	vld [tilespmem:s9+$0xFFFFFFC0]  }
0x96: {  	v2 =	vld.idx.msk [tilespmem:v1+s24+$0x0], $0xffff  }
0x97: {  	v10 =	vld [tilespmem:s9+$0xFFFFFFE0]  }
0x98: {  	v1 =	vld [tilespmem:s9+$0xFFFFFFF0]  }
0x99: {  	v3 =	vld [tilespmem:s9+$0x20]  }
0x9a: {  	v4 =	vld [tilespmem:s9+$0xFFFFFFD0]  }
0x9b: {  	v9 =	vmul.f32 v5, v2;
	v5 =	vld [tilespmem:s9+$0x0]  }
0x9c: {  	v7 =	vmul.f32 v6, v2  }
0x9d: {  	s12 =	simm.s32 $0x96C0;
	s10 =	sor.u32 $0x40, s7;
	s11 =	simm.s32 $0x1;
	v6 =	vmul.f32 v10, v2;
	v8 =	vmul.f32 v8, v2  }
.LBB2_7:
0x9e: {  	p1 =	sne.s32 s11, $0x3F  }
0x9f: {  	v4 =	vmul.f32 v4, v2;
	v3 =	vmul.f32 v3, v2;
	[tilespmem:s9+$0x30] =	vst v9;
	s12 =	sadd.s32 $0x80, s12;
	s13 =	smov.u32 s11;
	s11 =	sadd.s32 $0x1, s11  }
0xa0: {  	[tilespmem:s9+$0xFFFFFFC0] =	vst v7;
	v7 =	vmul.f32 v1, v2;
	v2 =	vmul.f32 v5, v2  }
0xa1: {  	s13 =	sadd.s32 s13, s1;
	[tilespmem:s9+$0x10] =	vst v8  }
0xa2: {  	v5 =	vmov s13;
	[tilespmem:s9+$0xFFFFFFE0] =	vst v6  }
0xa3: {  	v1 =	vld [tilespmem:s12+$0xFFFFFFF0];
	[tilespmem:s9+$0xFFFFFFF0] =	vst v7  }
0xa4: {  	v6 =	vld [tilespmem:s12+$0x30];
	[tilespmem:s9+$0x0] =	vst v2  }
0xa5: {  	v8 =	vld [tilespmem:s12+$0x10];
	[tilespmem:s9+$0x20] =	vst v3  }
0xa6: {  	v7 =	vld [tilespmem:s12+$0xFFFFFFC0];
	[tilespmem:s9+$0xFFFFFFD0] =	vst v4;
	s9 =	smov.u32 s12  }
0xa7: {  	v2 =	vld.idx.msk [tilespmem:v5+s24+$0x0], $0xffff  }
0xa8: {  	v10 =	vld [tilespmem:s12+$0xFFFFFFE0]  }
0xa9: {  	v3 =	vld [tilespmem:s12+$0x20]  }
.Ltmp4:
0xaa: {  	v4 =	vld [tilespmem:s12+$0xFFFFFFD0];
	(pc) =	sbr.rel @p1 .LBB2_7-.Ltmp4, $3  }
0xab: {  	v5 =	vld [tilespmem:s12+$0x0];
	_ =	sdelay $0x1  }
0xac: {  	v7 =	vmul.f32 v7, v2;
	v9 =	vmul.f32 v6, v2  }
0xad: {  	v8 =	vmul.f32 v8, v2;
	v6 =	vmul.f32 v10, v2  }
0xae: {  	[tilespmem:s9+$0x30] =	vst v9  }
0xaf: {  	[tilespmem:s9+$0xFFFFFFC0] =	vst v7  }
0xb0: {  	v1 =	vmul.f32 v1, v2;
	[tilespmem:s9+$0x10] =	vst v8  }
0xb1: {  	v3 =	vmul.f32 v3, v2;
	[tilespmem:s9+$0xFFFFFFE0] =	vst v6  }
.Ltmp5:
0xb2: {  	v5 =	vmul.f32 v5, v2;
	[tilespmem:s9+$0xFFFFFFF0] =	vst v1;
	(pc) =	sbr.rel @p0 .LBB2_10-.Ltmp5, $4  }
0xb3: {  	v1 =	vmul.f32 v4, v2;
	[tilespmem:s9+$0x20] =	vst v3  }
0xb4: {  	[tilespmem:s9+$0x0] =	vst v5  }
0xb5: {  	s13 =	sadd.s32 $0x2780, s10;
	[tilespmem:s9+$0xFFFFFFD0] =	vst v1  }
0xb6: {  	[spmem:s3] =	stream.indirect.scatter.add.f32 [tilespmem:s26], [sflag:$0x4], $0x80, s13, s29, $0xb8;
	[tilespmem:$0x1F680] =	vst v63  }
.Ltmp6:
0xb7: {  	(pc) =	sbr.rel .LBB2_4-.Ltmp6, $4  }
0xb8: {  	_ =	swait.ge [sflag:s0], $0x2000;
	s7 =	sand.u32 $0x3FFFFF80, s7  }
0xb9: {  	s6 =	sadd.s32 $0x1, s6;
	s5 =	sadd.s32 $0x80, s5;
	[sflag:s0] =	ssyncset.done $0x0  }
0xba: {  	s1 =	sadd.s32 $0x80, s1;
	s7 =	sadd.s32 $0xC0, s7;
	[sflag:s0] =	ssyncadd.s32 $0xFFFFE000  }
0xbb: {  	[tilespmem:s26], [sflag:$0x2] =	stream.indirect.gather [hbm4b:s2+s29], $0x80, s7, s29, $0xb8;
	[tilespmem:$0x1F680] =	vst v63  }
.LBB2_11:
0xbc: {  	_ =	sfence.sel $0x180000  }
0xbd: {  	[bflag:$0x0] =	sbarrier.arrive $0xFFFF  }
0xbe: {  	_ =	strace $0x9000004A  }
0xbf: {  	s0 =	stileid.u32;
	[bflag:$0x2] =	sbarrier.arrive $0xFFFF  }
0xc0: {  	p0 =	sne.s32 s0, $0x0;
	s0 =	rddreg [dreg:$0x3]  }
0xc1: {  	s0 =	sadd.s32 @!p0 $0x100000, s0  }
0xc2: {  	[sflag:s0] =	ssyncadd.tile.s32 @!p0 $0x1;
	_ =	shalt  }
.Lfunc_end2:
_tile_overlayer_lowered:
.L_overlay_start_2:
0xc3: {  	(tag) =	ssettag $0x2  }
0xc4: {  	s0 =	rddreg [dreg:$0x0];
	s2 =	stileid.u32  }
0xc5: {  	s1 =	rddreg [dreg:$0x1];
	p0 =	sne.s32 s2, $0x0  }
0xc6: {  	s3 =	rddreg [dreg:$0x2];
	[bflag:$0x3] =	sbarrier.arrive $0xFFFF;
	s2 =	simm.s32 @!p0 $0x1C05  }
0xc7: {  	[timem:s3], [sflag:s2] =	dma.local @!p0 [hbm:s0], s1  }
0xc8: {  	s0 =	simm.s32 @!p0 $0x5  }
0xc9: {  	_ =	swait.ge @!p0 [sflag:s0], s1  }
0xca: {  	s1 =	ssub.s32 @!p0 $0x0, s1;
	[sflag:s0] =	ssyncset.done @!p0 $0x0  }
0xcb: {  	[sflag:s0] =	ssyncadd.s32 @!p0 s1  }
0xcc: {  	[bflag:$0x3] =	sbarrier.arrive $0xFFFF  }
0xcd: {  	_ =	shalt  }

</sc_bundles>
